<compile_context>
chip_gen: v7x
topology: tpu7x:2x2x1
jax: 0.10.2.dev20260603
libtpu: 0.0.44.dev20260713+nightly
codegen_flags: <defaults>
</compile_context>

<pallas_src>
import functools

import jax
import jax.numpy as jnp
from jax import lax
from jax.experimental import pallas as pl
from jax.experimental.pallas import tpu as pltpu
from jax.experimental.pallas import tpu_sc as plsc

N_NODES = 10000
D = 128
N_EDGES = 320000

NC = 2
NS = 16
TILES = NC * NS
CHUNK = 128
CHUNKS_PER_TILE = 80
PER_TILE = CHUNK * CHUNKS_PER_TILE
TOT_EDGES = PER_TILE * TILES
NODES_PAD = 10240
HIST_ROWS = NODES_PAD // CHUNK
ROWS_PER_TILE = NODES_PAD // NS


def _sc_aggregate(src_hbm, dst_hbm, verts_hbm, agg_out,
                  src_v, dst_v, rows_a, rows_b, agg_sh, sem_a, sem_b):
    c = lax.axis_index("c")
    s = lax.axis_index("s")
    wid = s * NC + c

    zrow = jnp.zeros((16,), jnp.float32)
    def _zero_body(i, _):
        for k in range(D // 16):
            rows_a[i, pl.ds(16 * k, 16)] = zrow
        return 0
    lax.fori_loop(0, CHUNK, _zero_body, 0)
    for r in range(ROWS_PER_TILE // CHUNK):
        pltpu.sync_copy(rows_a, agg_sh.at[pl.ds(s * ROWS_PER_TILE + r * CHUNK, CHUNK)])

    plsc.subcore_barrier()

    half = CHUNKS_PER_TILE // 2

    def _pass_body(p, _):
        pltpu.sync_copy(src_hbm.at[wid * 2 + p], src_v)
        pltpu.sync_copy(dst_hbm.at[wid * 2 + p], dst_v)
        def _pair_body(i, _):
            ca = 2 * i
            cb = 2 * i + 1
            da = pltpu.async_copy(verts_hbm.at[src_v.at[ca]], rows_a, sem_a)
            db = pltpu.async_copy(verts_hbm.at[src_v.at[cb]], rows_b, sem_b)
            da.wait()
            pltpu.sync_copy(rows_a, agg_sh.at[dst_v.at[ca]], add=True)
            db.wait()
            pltpu.sync_copy(rows_b, agg_sh.at[dst_v.at[cb]], add=True)
            return 0
        lax.fori_loop(0, half // 2, _pair_body, 0)
        return 0
    lax.fori_loop(0, 2, _pass_body, 0)

    plsc.subcore_barrier()

    rbase = s * ROWS_PER_TILE
    pltpu.sync_copy(agg_sh.at[pl.ds(rbase, ROWS_PER_TILE)],
                    agg_out.at[c].at[pl.ds(rbase, ROWS_PER_TILE)])


def _tc_deghist(dstc, o):
    i = pl.program_id(0)
    d = dstc[...]
    hi = jnp.floor(d * (1.0 / CHUNK))
    lo = d - hi * CHUNK
    ihi = lax.broadcasted_iota(jnp.int32, (1, HIST_ROWS), 1).astype(jnp.float32)
    ilo = lax.broadcasted_iota(jnp.int32, (1, CHUNK), 1).astype(jnp.float32)
    oh_hi = (hi == ihi).astype(jnp.bfloat16)
    oh_lo = (lo == ilo).astype(jnp.bfloat16)
    acc = lax.dot_general(oh_hi, oh_lo, (((0,), (0,)), ((), ())),
                          preferred_element_type=jnp.float32)
    @pl.when(i == 0)
    def _():
        o[...] = acc
    @pl.when(i > 0)
    def _():
        o[...] = o[...] + acc


def _tc_degnorm(dg, o):
    o[...] = lax.rsqrt(dg[...] + 1.0)


def _tc_finish(p0, p1, v, nm, wt, bb, o):
    x = (p0[...] + p1[...] + v[...]) * nm[...]
    o[...] = jnp.dot(x, wt[...], preferred_element_type=jnp.float32) + bb[...]


def kernel(vertices, edges, W, b):
    pad = TOT_EDGES - N_EDGES
    src = jnp.concatenate([edges[1], jnp.zeros((pad,), jnp.int32)])
    dst = jnp.concatenate([edges[0], jnp.full((pad,), N_NODES, jnp.int32)])
    src2 = src.reshape(TILES * 2, CHUNKS_PER_TILE // 2, CHUNK)
    dst2 = dst.reshape(TILES * 2, CHUNKS_PER_TILE // 2, CHUNK)
    dst = dst.reshape(TILES, CHUNKS_PER_TILE, CHUNK)

    mesh = plsc.VectorSubcoreMesh(core_axis_name="c", subcore_axis_name="s")

    agg = functools.partial(
        pl.kernel,
        mesh=mesh,
        out_type=jax.ShapeDtypeStruct((NC, NODES_PAD, D), jnp.float32),
        scratch_types=[
            pltpu.VMEM((CHUNKS_PER_TILE // 2, CHUNK), jnp.int32),
            pltpu.VMEM((CHUNKS_PER_TILE // 2, CHUNK), jnp.int32),
            pltpu.VMEM((CHUNK, D), jnp.float32),
            pltpu.VMEM((CHUNK, D), jnp.float32),
            pltpu.VMEM_SHARED((NODES_PAD, D), jnp.float32),
            pltpu.SemaphoreType.DMA,
            pltpu.SemaphoreType.DMA,
        ],
    )(_sc_aggregate)(src2, dst2, vertices)

    eblk = 8192
    dstc = dst.reshape(TOT_EDGES, 1).astype(jnp.float32)
    deg2d = pl.pallas_call(
        _tc_deghist,
        grid=(TOT_EDGES // eblk,),
        in_specs=[pl.BlockSpec((eblk, 1), lambda i: (i, 0))],
        out_specs=pl.BlockSpec((HIST_ROWS, CHUNK), lambda i: (0, 0)),
        out_shape=jax.ShapeDtypeStruct((HIST_ROWS, CHUNK), jnp.float32),
    )(dstc)

    rows_blk = 1024
    grid = (NODES_PAD // rows_blk,)

    norm = pl.pallas_call(
        _tc_degnorm,
        out_shape=jax.ShapeDtypeStruct((HIST_ROWS, CHUNK), jnp.float32),
    )(deg2d)
    normb = jnp.broadcast_to(norm.reshape(NODES_PAD, 1), (NODES_PAD, D))

    vpad = jnp.pad(vertices, ((0, NODES_PAD - N_NODES), (0, 0)))
    out = pl.pallas_call(
        _tc_finish,
        grid=grid,
        in_specs=[
            pl.BlockSpec((rows_blk, D), lambda i: (i, 0)),
            pl.BlockSpec((rows_blk, D), lambda i: (i, 0)),
            pl.BlockSpec((rows_blk, D), lambda i: (i, 0)),
            pl.BlockSpec((rows_blk, D), lambda i: (i, 0)),
            pl.BlockSpec((D, D), lambda i: (0, 0)),
            pl.BlockSpec((1, D), lambda i: (0, 0)),
        ],
        out_specs=pl.BlockSpec((rows_blk, D), lambda i: (i, 0)),
        out_shape=jax.ShapeDtypeStruct((NODES_PAD, D), jnp.float32),
    )(
        agg[0], agg[1], vpad, normb,
        W.T, b.reshape(1, D),
    )
    return out[:N_NODES]

# --- scband reference (transcript-rebuilt; emitter-appended) ---
"""Pipeline reference for scband-graph-conv-47064251629851 (READ-ONLY COPY).

The authoritative reference and input builder live on the scoring server;
editing this copy changes nothing except your own understanding.
"""

import jax, jax.numpy as jnp
import numpy as np

N_NODES = 10000
N_EDGES = 320000
D_FEAT = 128
D_OUT = 128


def setup_inputs(seed: int = 0) -> dict:
    key = jax.random.key(seed)
    k1, k2, k3, k4 = jax.random.split(key, 4)
    vertices = jax.random.normal(k1, (N_NODES, D_FEAT), dtype=jnp.float32)
    edges = jax.random.randint(k2, (2, N_EDGES), 0, N_NODES, dtype=jnp.int32)
    # Linear layer params (torch.nn.Linear: y = x @ W.T + b)
    bound = 1.0 / np.sqrt(D_FEAT)
    W = jax.random.uniform(k3, (D_OUT, D_FEAT), dtype=jnp.float32, minval=-bound, maxval=bound)
    b = jax.random.uniform(k4, (D_OUT,), dtype=jnp.float32, minval=-bound, maxval=bound)
    return {"vertices": vertices, "edges": edges, "W": W, "b": b}


def reference(vertices, edges, W, b):
    n_vertices = vertices.shape[0]
    # self loops
    idx = jnp.arange(n_vertices, dtype=edges.dtype)
    self_edges = jnp.stack([idx, idx], axis=0)
    e = jnp.concatenate([edges, self_edges], axis=1)
    # dense scatter-add aggregation
    neighbours = vertices[e[1]]
    agg = jnp.zeros_like(vertices).at[e[0]].add(neighbours)
    # degree normalization: d^{-1/2} with clamp(min=1)
    d = jnp.zeros_like(vertices).at[e[0]].add(jnp.ones_like(neighbours))
    agg = agg * jnp.clip(d, 1.0, None) ** (-0.5)
    out = agg @ W.T + b
    return out

if __name__ == "__main__":
    import jax
    _d = setup_inputs()
    print(jax.jit(kernel)(*tuple(_d.values())))

</pallas_src>

<mosaic_0001>
#map = affine_map<(d0, d1) -> (0, 0, 0)>
#map1 = affine_map<(d0, d1) -> (0, 0)>
module attributes {stable_mosaic.version = 14 : i64} {
  func.func @_sc_aggregate(%arg0: i32, %arg1: i32, %arg2: memref<64x40x128xi32, #tpu.memory_space<hbm>>, %arg3: memref<64x40x128xi32, #tpu.memory_space<hbm>>, %arg4: memref<10000x128xf32, #tpu.memory_space<hbm>>, %arg5: memref<2x10240x128xf32, #tpu.memory_space<hbm>>, %arg6: memref<40x128xi32, #tpu.memory_space<vmem>>, %arg7: memref<40x128xi32, #tpu.memory_space<vmem>>, %arg8: memref<128x128xf32, #tpu.memory_space<vmem>>, %arg9: memref<128x128xf32, #tpu.memory_space<vmem>>, %arg10: memref<10240x128xf32, #tpu.memory_space<vmem_shared>>, %arg11: memref<!tpu.dma_semaphore, #tpu.memory_space<semaphore_mem>>, %arg12: memref<!tpu.dma_semaphore, #tpu.memory_space<semaphore_mem>>) attributes {dimension_semantics = [#tpu.dimension_semantics<core_parallel>, #tpu.dimension_semantics<subcore_parallel>], iteration_bounds = array<i64: 2, 16>, scalar_prefetch = 0 : i64, scratch_operands = 7 : i64, tpu.core_type = #tpu.core_type<sc_vector_subcore>, window_params = [{transform_indices = #map}, {transform_indices = #map}, {transform_indices = #map1}, {transform_indices = #map}]} {
    %mul3A = arith.constant 2 : i32
    %mul3A_0 = arith.muli %arg1, %mul3A : i32
    %add3A = arith.addi %mul3A_0, %arg0 : i32
    %broadcast_in_dim3A = arith.constant 0.000000e+00 : f32
    %broadcast_in_dim3A_1 = vector.broadcast %broadcast_in_dim3A : f32 to vector<16xf32>
    %scan3A = arith.constant 0 : i32
    %scan3A_2 = arith.constant 0 : i32
    %scan3A_3 = arith.constant 128 : i32
    %scan3A_4 = arith.addi %scan3A_2, %scan3A_3 : i32
    %scan3A_5 = arith.constant 1 : i32
    %scan3A_6 = scf.for %scan3A_38 = %scan3A_2 to %scan3A_4 step %scan3A_5 iter_args(%scan3A_39 = %scan3A) -> (i32)  : i32 {
      %swap3A = arith.index_cast %scan3A_38 : i32 to index
      %swap3A_40 = arith.constant 0 : index
      %swap3A_41 = tpu.vector_load %arg8[%swap3A, %swap3A_40] {strides = array<i32>} : memref<128x128xf32, #tpu.memory_space<vmem>>, vector<1x16xf32>,
      %swap3A_42 = vector.shape_cast %swap3A_41 : vector<1x16xf32> to vector<16xf32>
      %swap3A_43 = vector.shape_cast %broadcast_in_dim3A_1 : vector<16xf32> to vector<1x16xf32>
      tpu.vector_store %arg8[%swap3A, %swap3A_40], %swap3A_43 {strides = array<i32>} : memref<128x128xf32, #tpu.memory_space<vmem>>, vector<1x16xf32>,
      %swap3A_44 = arith.index_cast %scan3A_38 : i32 to index
      %swap3A_45 = arith.constant 16 : index
      %swap3A_46 = tpu.vector_load %arg8[%swap3A_44, %swap3A_45] {strides = array<i32>} : memref<128x128xf32, #tpu.memory_space<vmem>>, vector<1x16xf32>,
      %swap3A_47 = vector.shape_cast %swap3A_46 : vector<1x16xf32> to vector<16xf32>
      %swap3A_48 = vector.shape_cast %broadcast_in_dim3A_1 : vector<16xf32> to vector<1x16xf32>
      tpu.vector_store %arg8[%swap3A_44, %swap3A_45], %swap3A_48 {strides = array<i32>} : memref<128x128xf32, #tpu.memory_space<vmem>>, vector<1x16xf32>,
      %swap3A_49 = arith.index_cast %scan3A_38 : i32 to index
      %swap3A_50 = arith.constant 32 : index
      %swap3A_51 = tpu.vector_load %arg8[%swap3A_49, %swap3A_50] {strides = array<i32>} : memref<128x128xf32, #tpu.memory_space<vmem>>, vector<1x16xf32>,
      %swap3A_52 = vector.shape_cast %swap3A_51 : vector<1x16xf32> to vector<16xf32>
      %swap3A_53 = vector.shape_cast %broadcast_in_dim3A_1 : vector<16xf32> to vector<1x16xf32>
      tpu.vector_store %arg8[%swap3A_49, %swap3A_50], %swap3A_53 {strides = array<i32>} : memref<128x128xf32, #tpu.memory_space<vmem>>, vector<1x16xf32>,
      %swap3A_54 = arith.index_cast %scan3A_38 : i32 to index
      %swap3A_55 = arith.constant 48 : index
      %swap3A_56 = tpu.vector_load %arg8[%swap3A_54, %swap3A_55] {strides = array<i32>} : memref<128x128xf32, #tpu.memory_space<vmem>>, vector<1x16xf32>,
      %swap3A_57 = vector.shape_cast %swap3A_56 : vector<1x16xf32> to vector<16xf32>
      %swap3A_58 = vector.shape_cast %broadcast_in_dim3A_1 : vector<16xf32> to vector<1x16xf32>
      tpu.vector_store %arg8[%swap3A_54, %swap3A_55], %swap3A_58 {strides = array<i32>} : memref<128x128xf32, #tpu.memory_space<vmem>>, vector<1x16xf32>,
      %swap3A_59 = arith.index_cast %scan3A_38 : i32 to index
      %swap3A_60 = arith.constant 64 : index
      %swap3A_61 = tpu.vector_load %arg8[%swap3A_59, %swap3A_60] {strides = array<i32>} : memref<128x128xf32, #tpu.memory_space<vmem>>, vector<1x16xf32>,
      %swap3A_62 = vector.shape_cast %swap3A_61 : vector<1x16xf32> to vector<16xf32>
      %swap3A_63 = vector.shape_cast %broadcast_in_dim3A_1 : vector<16xf32> to vector<1x16xf32>
      tpu.vector_store %arg8[%swap3A_59, %swap3A_60], %swap3A_63 {strides = array<i32>} : memref<128x128xf32, #tpu.memory_space<vmem>>, vector<1x16xf32>,
      %swap3A_64 = arith.index_cast %scan3A_38 : i32 to index
      %swap3A_65 = arith.constant 80 : index
      %swap3A_66 = tpu.vector_load %arg8[%swap3A_64, %swap3A_65] {strides = array<i32>} : memref<128x128xf32, #tpu.memory_space<vmem>>, vector<1x16xf32>,
      %swap3A_67 = vector.shape_cast %swap3A_66 : vector<1x16xf32> to vector<16xf32>
      %swap3A_68 = vector.shape_cast %broadcast_in_dim3A_1 : vector<16xf32> to vector<1x16xf32>
      tpu.vector_store %arg8[%swap3A_64, %swap3A_65], %swap3A_68 {strides = array<i32>} : memref<128x128xf32, #tpu.memory_space<vmem>>, vector<1x16xf32>,
      %swap3A_69 = arith.index_cast %scan3A_38 : i32 to index
      %swap3A_70 = arith.constant 96 : index
      %swap3A_71 = tpu.vector_load %arg8[%swap3A_69, %swap3A_70] {strides = array<i32>} : memref<128x128xf32, #tpu.memory_space<vmem>>, vector<1x16xf32>,
      %swap3A_72 = vector.shape_cast %swap3A_71 : vector<1x16xf32> to vector<16xf32>
      %swap3A_73 = vector.shape_cast %broadcast_in_dim3A_1 : vector<16xf32> to vector<1x16xf32>
      tpu.vector_store %arg8[%swap3A_69, %swap3A_70], %swap3A_73 {strides = array<i32>} : memref<128x128xf32, #tpu.memory_space<vmem>>, vector<1x16xf32>,
      %swap3A_74 = arith.index_cast %scan3A_38 : i32 to index
      %swap3A_75 = arith.constant 112 : index
      %swap3A_76 = tpu.vector_load %arg8[%swap3A_74, %swap3A_75] {strides = array<i32>} : memref<128x128xf32, #tpu.memory_space<vmem>>, vector<1x16xf32>,
      %swap3A_77 = vector.shape_cast %swap3A_76 : vector<1x16xf32> to vector<16xf32>
      %swap3A_78 = vector.shape_cast %broadcast_in_dim3A_1 : vector<16xf32> to vector<1x16xf32>
      tpu.vector_store %arg8[%swap3A_74, %swap3A_75], %swap3A_78 {strides = array<i32>} : memref<128x128xf32, #tpu.memory_space<vmem>>, vector<1x16xf32>,
      %scan3A_79 = arith.constant 0 : i32
      scf.yield %scan3A_79 : i32
    }
    %scan3A_7 = arith.constant 128 : i32
    %mul3A_8 = arith.constant 640 : i32
    %mul3A_9 = arith.muli %arg1, %mul3A_8 : i32
    %add3A_10 = arith.constant 0 : i32
    %add3A_11 = arith.addi %mul3A_9, %add3A_10 : i32
    "tpu.region"() ({
      %run_scoped3A = tpu.sem_alloc : memref<!tpu.dma_semaphore, #tpu.memory_space<semaphore_mem>>
      %dma_start3A = arith.constant 0 : i32
      %dma_start3A_38 = tpu.memref_slice %arg10[%add3A_11, %dma_start3A] : memref<10240x128xf32, #tpu.memory_space<vmem_shared>> -> memref<128x128xf32, #tpu.memory_space<vmem_shared>>
      %dma_start3A_39 = arith.constant 0 : i32
      %dma_start3A_40 = tpu.memref_slice %arg10[%add3A_11, %dma_start3A_39] : memref<10240x128xf32, #tpu.memory_space<vmem_shared>> -> memref<128x128xf32, #tpu.memory_space<vmem_shared>>
      tpu.enqueue_dma source(%arg8 : memref<128x128xf32, #tpu.memory_space<vmem>>) target(%dma_start3A_40 : memref<128x128xf32, #tpu.memory_space<vmem_shared>>) target_semaphore(%run_scoped3A : memref<!tpu.dma_semaphore, #tpu.memory_space<semaphore_mem>>)
      %dma_wait3A = arith.constant 0 : i32
      %dma_wait3A_41 = tpu.memref_slice %arg10[%add3A_11, %dma_wait3A] : memref<10240x128xf32, #tpu.memory_space<vmem_shared>> -> memref<128x128xf32, #tpu.memory_space<vmem_shared>>
      %dma_wait3A_42 = arith.constant 0 : i32
      %dma_wait3A_43 = tpu.memref_slice %arg10[%add3A_11, %dma_wait3A_42] : memref<10240x128xf32, #tpu.memory_space<vmem_shared>> -> memref<128x128xf32, #tpu.memory_space<vmem_shared>>
      tpu.wait_dma2 semaphore(%run_scoped3A : memref<!tpu.dma_semaphore, #tpu.memory_space<semaphore_mem>>) src(%arg8 : memref<128x128xf32, #tpu.memory_space<vmem>>) dst(%dma_wait3A_43 : memref<128x128xf32, #tpu.memory_space<vmem_shared>>)
      tpu.yield
    }) : () -> ()
    %mul3A_12 = arith.constant 640 : i32
    %mul3A_13 = arith.muli %arg1, %mul3A_12 : i32
    %add3A_14 = arith.constant 128 : i32
    %add3A_15 = arith.addi %mul3A_13, %add3A_14 : i32
    "tpu.region"() ({
      %run_scoped3A = tpu.sem_alloc : memref<!tpu.dma_semaphore, #tpu.memory_space<semaphore_mem>>
      %dma_start3A = arith.constant 0 : i32
      %dma_start3A_38 = tpu.memref_slice %arg10[%add3A_15, %dma_start3A] : memref<10240x128xf32, #tpu.memory_space<vmem_shared>> -> memref<128x128xf32, #tpu.memory_space<vmem_shared>>
      %dma_start3A_39 = arith.constant 0 : i32
      %dma_start3A_40 = tpu.memref_slice %arg10[%add3A_15, %dma_start3A_39] : memref<10240x128xf32, #tpu.memory_space<vmem_shared>> -> memref<128x128xf32, #tpu.memory_space<vmem_shared>>
      tpu.enqueue_dma source(%arg8 : memref<128x128xf32, #tpu.memory_space<vmem>>) target(%dma_start3A_40 : memref<128x128xf32, #tpu.memory_space<vmem_shared>>) target_semaphore(%run_scoped3A : memref<!tpu.dma_semaphore, #tpu.memory_space<semaphore_mem>>)
      %dma_wait3A = arith.constant 0 : i32
      %dma_wait3A_41 = tpu.memref_slice %arg10[%add3A_15, %dma_wait3A] : memref<10240x128xf32, #tpu.memory_space<vmem_shared>> -> memref<128x128xf32, #tpu.memory_space<vmem_shared>>
      %dma_wait3A_42 = arith.constant 0 : i32
      %dma_wait3A_43 = tpu.memref_slice %arg10[%add3A_15, %dma_wait3A_42] : memref<10240x128xf32, #tpu.memory_space<vmem_shared>> -> memref<128x128xf32, #tpu.memory_space<vmem_shared>>
      tpu.wait_dma2 semaphore(%run_scoped3A : memref<!tpu.dma_semaphore, #tpu.memory_space<semaphore_mem>>) src(%arg8 : memref<128x128xf32, #tpu.memory_space<vmem>>) dst(%dma_wait3A_43 : memref<128x128xf32, #tpu.memory_space<vmem_shared>>)
      tpu.yield
    }) : () -> ()
    %mul3A_16 = arith.constant 640 : i32
    %mul3A_17 = arith.muli %arg1, %mul3A_16 : i32
    %add3A_18 = arith.constant 256 : i32
    %add3A_19 = arith.addi %mul3A_17, %add3A_18 : i32
    "tpu.region"() ({
      %run_scoped3A = tpu.sem_alloc : memref<!tpu.dma_semaphore, #tpu.memory_space<semaphore_mem>>
      %dma_start3A = arith.constant 0 : i32
      %dma_start3A_38 = tpu.memref_slice %arg10[%add3A_19, %dma_start3A] : memref<10240x128xf32, #tpu.memory_space<vmem_shared>> -> memref<128x128xf32, #tpu.memory_space<vmem_shared>>
      %dma_start3A_39 = arith.constant 0 : i32
      %dma_start3A_40 = tpu.memref_slice %arg10[%add3A_19, %dma_start3A_39] : memref<10240x128xf32, #tpu.memory_space<vmem_shared>> -> memref<128x128xf32, #tpu.memory_space<vmem_shared>>
      tpu.enqueue_dma source(%arg8 : memref<128x128xf32, #tpu.memory_space<vmem>>) target(%dma_start3A_40 : memref<128x128xf32, #tpu.memory_space<vmem_shared>>) target_semaphore(%run_scoped3A : memref<!tpu.dma_semaphore, #tpu.memory_space<semaphore_mem>>)
      %dma_wait3A = arith.constant 0 : i32
      %dma_wait3A_41 = tpu.memref_slice %arg10[%add3A_19, %dma_wait3A] : memref<10240x128xf32, #tpu.memory_space<vmem_shared>> -> memref<128x128xf32, #tpu.memory_space<vmem_shared>>
      %dma_wait3A_42 = arith.constant 0 : i32
      %dma_wait3A_43 = tpu.memref_slice %arg10[%add3A_19, %dma_wait3A_42] : memref<10240x128xf32, #tpu.memory_space<vmem_shared>> -> memref<128x128xf32, #tpu.memory_space<vmem_shared>>
      tpu.wait_dma2 semaphore(%run_scoped3A : memref<!tpu.dma_semaphore, #tpu.memory_space<semaphore_mem>>) src(%arg8 : memref<128x128xf32, #tpu.memory_space<vmem>>) dst(%dma_wait3A_43 : memref<128x128xf32, #tpu.memory_space<vmem_shared>>)
      tpu.yield
    }) : () -> ()
    %mul3A_20 = arith.constant 640 : i32
    %mul3A_21 = arith.muli %arg1, %mul3A_20 : i32
    %add3A_22 = arith.constant 384 : i32
    %add3A_23 = arith.addi %mul3A_21, %add3A_22 : i32
    "tpu.region"() ({
      %run_scoped3A = tpu.sem_alloc : memref<!tpu.dma_semaphore, #tpu.memory_space<semaphore_mem>>
      %dma_start3A = arith.constant 0 : i32
      %dma_start3A_38 = tpu.memref_slice %arg10[%add3A_23, %dma_start3A] : memref<10240x128xf32, #tpu.memory_space<vmem_shared>> -> memref<128x128xf32, #tpu.memory_space<vmem_shared>>
      %dma_start3A_39 = arith.constant 0 : i32
      %dma_start3A_40 = tpu.memref_slice %arg10[%add3A_23, %dma_start3A_39] : memref<10240x128xf32, #tpu.memory_space<vmem_shared>> -> memref<128x128xf32, #tpu.memory_space<vmem_shared>>
      tpu.enqueue_dma source(%arg8 : memref<128x128xf32, #tpu.memory_space<vmem>>) target(%dma_start3A_40 : memref<128x128xf32, #tpu.memory_space<vmem_shared>>) target_semaphore(%run_scoped3A : memref<!tpu.dma_semaphore, #tpu.memory_space<semaphore_mem>>)
      %dma_wait3A = arith.constant 0 : i32
      %dma_wait3A_41 = tpu.memref_slice %arg10[%add3A_23, %dma_wait3A] : memref<10240x128xf32, #tpu.memory_space<vmem_shared>> -> memref<128x128xf32, #tpu.memory_space<vmem_shared>>
      %dma_wait3A_42 = arith.constant 0 : i32
      %dma_wait3A_43 = tpu.memref_slice %arg10[%add3A_23, %dma_wait3A_42] : memref<10240x128xf32, #tpu.memory_space<vmem_shared>> -> memref<128x128xf32, #tpu.memory_space<vmem_shared>>
      tpu.wait_dma2 semaphore(%run_scoped3A : memref<!tpu.dma_semaphore, #tpu.memory_space<semaphore_mem>>) src(%arg8 : memref<128x128xf32, #tpu.memory_space<vmem>>) dst(%dma_wait3A_43 : memref<128x128xf32, #tpu.memory_space<vmem_shared>>)
      tpu.yield
    }) : () -> ()
    %mul3A_24 = arith.constant 640 : i32
    %mul3A_25 = arith.muli %arg1, %mul3A_24 : i32
    %add3A_26 = arith.constant 512 : i32
    %add3A_27 = arith.addi %mul3A_25, %add3A_26 : i32
    "tpu.region"() ({
      %run_scoped3A = tpu.sem_alloc : memref<!tpu.dma_semaphore, #tpu.memory_space<semaphore_mem>>
      %dma_start3A = arith.constant 0 : i32
      %dma_start3A_38 = tpu.memref_slice %arg10[%add3A_27, %dma_start3A] : memref<10240x128xf32, #tpu.memory_space<vmem_shared>> -> memref<128x128xf32, #tpu.memory_space<vmem_shared>>
      %dma_start3A_39 = arith.constant 0 : i32
      %dma_start3A_40 = tpu.memref_slice %arg10[%add3A_27, %dma_start3A_39] : memref<10240x128xf32, #tpu.memory_space<vmem_shared>> -> memref<128x128xf32, #tpu.memory_space<vmem_shared>>
      tpu.enqueue_dma source(%arg8 : memref<128x128xf32, #tpu.memory_space<vmem>>) target(%dma_start3A_40 : memref<128x128xf32, #tpu.memory_space<vmem_shared>>) target_semaphore(%run_scoped3A : memref<!tpu.dma_semaphore, #tpu.memory_space<semaphore_mem>>)
      %dma_wait3A = arith.constant 0 : i32
      %dma_wait3A_41 = tpu.memref_slice %arg10[%add3A_27, %dma_wait3A] : memref<10240x128xf32, #tpu.memory_space<vmem_shared>> -> memref<128x128xf32, #tpu.memory_space<vmem_shared>>
      %dma_wait3A_42 = arith.constant 0 : i32
      %dma_wait3A_43 = tpu.memref_slice %arg10[%add3A_27, %dma_wait3A_42] : memref<10240x128xf32, #tpu.memory_space<vmem_shared>> -> memref<128x128xf32, #tpu.memory_space<vmem_shared>>
      tpu.wait_dma2 semaphore(%run_scoped3A : memref<!tpu.dma_semaphore, #tpu.memory_space<semaphore_mem>>) src(%arg8 : memref<128x128xf32, #tpu.memory_space<vmem>>) dst(%dma_wait3A_43 : memref<128x128xf32, #tpu.memory_space<vmem_shared>>)
      tpu.yield
    }) : () -> ()
    %barrier3A = arith.constant 0 : index
    tpu.barrier barrier_id(%barrier3A)
    %scan3A_28 = arith.constant 0 : i32
    %scan3A_29 = arith.constant 0 : i32
    %scan3A_30 = arith.constant 2 : i32
    %scan3A_31 = arith.addi %scan3A_29, %scan3A_30 : i32
    %scan3A_32 = arith.constant 1 : i32
    %scan3A_33 = scf.for %scan3A_38 = %scan3A_29 to %scan3A_31 step %scan3A_32 iter_args(%scan3A_39 = %scan3A_28) -> (i32)  : i32 {
      %mul3A_40 = arith.constant 2 : i32
      %mul3A_41 = arith.muli %add3A, %mul3A_40 : i32
      %add3A_42 = arith.addi %mul3A_41, %scan3A_38 : i32
      "tpu.region"() ({
        %run_scoped3A = tpu.sem_alloc : memref<!tpu.dma_semaphore, #tpu.memory_space<semaphore_mem>>
        %dma_start3A = arith.constant 0 : i32
        %dma_start3A_54 = arith.constant 0 : i32
        %dma_start3A_55 = tpu.memref_slice %arg2[%add3A_42, %dma_start3A, %dma_start3A_54] : memref<64x40x128xi32, #tpu.memory_space<hbm>> -> memref<1x40x128xi32, #tpu.memory_space<hbm>>
        %dma_start3A_56 = tpu.memref_squeeze %dma_start3A_55 : memref<1x40x128xi32, #tpu.memory_space<hbm>> -> memref<40x128xi32, #tpu.memory_space<hbm>>
        %dma_start3A_57 = arith.constant 0 : i32
        %dma_start3A_58 = arith.constant 0 : i32
        %dma_start3A_59 = tpu.memref_slice %arg2[%add3A_42, %dma_start3A_57, %dma_start3A_58] : memref<64x40x128xi32, #tpu.memory_space<hbm>> -> memref<1x40x128xi32, #tpu.memory_space<hbm>>
        %dma_start3A_60 = tpu.memref_squeeze %dma_start3A_59 : memref<1x40x128xi32, #tpu.memory_space<hbm>> -> memref<40x128xi32, #tpu.memory_space<hbm>>
        tpu.enqueue_dma source(%dma_start3A_60 : memref<40x128xi32, #tpu.memory_space<hbm>>) target(%arg6 : memref<40x128xi32, #tpu.memory_space<vmem>>) target_semaphore(%run_scoped3A : memref<!tpu.dma_semaphore, #tpu.memory_space<semaphore_mem>>)
        %dma_wait3A = arith.constant 0 : i32
        %dma_wait3A_61 = arith.constant 0 : i32
        %dma_wait3A_62 = tpu.memref_slice %arg2[%add3A_42, %dma_wait3A, %dma_wait3A_61] : memref<64x40x128xi32, #tpu.memory_space<hbm>> -> memref<1x40x128xi32, #tpu.memory_space<hbm>>
        %dma_wait3A_63 = tpu.memref_squeeze %dma_wait3A_62 : memref<1x40x128xi32, #tpu.memory_space<hbm>> -> memref<40x128xi32, #tpu.memory_space<hbm>>
        %dma_wait3A_64 = arith.constant 0 : i32
        %dma_wait3A_65 = arith.constant 0 : i32
        %dma_wait3A_66 = tpu.memref_slice %arg2[%add3A_42, %dma_wait3A_64, %dma_wait3A_65] : memref<64x40x128xi32, #tpu.memory_space<hbm>> -> memref<1x40x128xi32, #tpu.memory_space<hbm>>
        %dma_wait3A_67 = tpu.memref_squeeze %dma_wait3A_66 : memref<1x40x128xi32, #tpu.memory_space<hbm>> -> memref<40x128xi32, #tpu.memory_space<hbm>>
        tpu.wait_dma2 semaphore(%run_scoped3A : memref<!tpu.dma_semaphore, #tpu.memory_space<semaphore_mem>>) src(%dma_wait3A_67 : memref<40x128xi32, #tpu.memory_space<hbm>>) dst(%arg6 : memref<40x128xi32, #tpu.memory_space<vmem>>)
        tpu.yield
      }) : () -> ()
      %mul3A_43 = arith.constant 2 : i32
      %mul3A_44 = arith.muli %add3A, %mul3A_43 : i32
      %add3A_45 = arith.addi %mul3A_44, %scan3A_38 : i32
      "tpu.region"() ({
        %run_scoped3A = tpu.sem_alloc : memref<!tpu.dma_semaphore, #tpu.memory_space<semaphore_mem>>
        %dma_start3A = arith.constant 0 : i32
        %dma_start3A_54 = arith.constant 0 : i32
        %dma_start3A_55 = tpu.memref_slice %arg3[%add3A_45, %dma_start3A, %dma_start3A_54] : memref<64x40x128xi32, #tpu.memory_space<hbm>> -> memref<1x40x128xi32, #tpu.memory_space<hbm>>
        %dma_start3A_56 = tpu.memref_squeeze %dma_start3A_55 : memref<1x40x128xi32, #tpu.memory_space<hbm>> -> memref<40x128xi32, #tpu.memory_space<hbm>>
        %dma_start3A_57 = arith.constant 0 : i32
        %dma_start3A_58 = arith.constant 0 : i32
        %dma_start3A_59 = tpu.memref_slice %arg3[%add3A_45, %dma_start3A_57, %dma_start3A_58] : memref<64x40x128xi32, #tpu.memory_space<hbm>> -> memref<1x40x128xi32, #tpu.memory_space<hbm>>
        %dma_start3A_60 = tpu.memref_squeeze %dma_start3A_59 : memref<1x40x128xi32, #tpu.memory_space<hbm>> -> memref<40x128xi32, #tpu.memory_space<hbm>>
        tpu.enqueue_dma source(%dma_start3A_60 : memref<40x128xi32, #tpu.memory_space<hbm>>) target(%arg7 : memref<40x128xi32, #tpu.memory_space<vmem>>) target_semaphore(%run_scoped3A : memref<!tpu.dma_semaphore, #tpu.memory_space<semaphore_mem>>)
        %dma_wait3A = arith.constant 0 : i32
        %dma_wait3A_61 = arith.constant 0 : i32
        %dma_wait3A_62 = tpu.memref_slice %arg3[%add3A_45, %dma_wait3A, %dma_wait3A_61] : memref<64x40x128xi32, #tpu.memory_space<hbm>> -> memref<1x40x128xi32, #tpu.memory_space<hbm>>
        %dma_wait3A_63 = tpu.memref_squeeze %dma_wait3A_62 : memref<1x40x128xi32, #tpu.memory_space<hbm>> -> memref<40x128xi32, #tpu.memory_space<hbm>>
        %dma_wait3A_64 = arith.constant 0 : i32
        %dma_wait3A_65 = arith.constant 0 : i32
        %dma_wait3A_66 = tpu.memref_slice %arg3[%add3A_45, %dma_wait3A_64, %dma_wait3A_65] : memref<64x40x128xi32, #tpu.memory_space<hbm>> -> memref<1x40x128xi32, #tpu.memory_space<hbm>>
        %dma_wait3A_67 = tpu.memref_squeeze %dma_wait3A_66 : memref<1x40x128xi32, #tpu.memory_space<hbm>> -> memref<40x128xi32, #tpu.memory_space<hbm>>
        tpu.wait_dma2 semaphore(%run_scoped3A : memref<!tpu.dma_semaphore, #tpu.memory_space<semaphore_mem>>) src(%dma_wait3A_67 : memref<40x128xi32, #tpu.memory_space<hbm>>) dst(%arg7 : memref<40x128xi32, #tpu.memory_space<vmem>>)
        tpu.yield
      }) : () -> ()
      %scan3A_46 = arith.constant 0 : i32
      %scan3A_47 = arith.constant 0 : i32
      %scan3A_48 = arith.constant 20 : i32
      %scan3A_49 = arith.addi %scan3A_47, %scan3A_48 : i32
      %scan3A_50 = arith.constant 1 : i32
      %scan3A_51 = scf.for %scan3A_54 = %scan3A_47 to %scan3A_49 step %scan3A_50 iter_args(%scan3A_55 = %scan3A_46) -> (i32)  : i32 {
        %mul3A_56 = arith.constant 2 : i32
        %mul3A_57 = arith.muli %mul3A_56, %scan3A_54 : i32
        %mul3A_58 = arith.constant 2 : i32
        %mul3A_59 = arith.muli %mul3A_58, %scan3A_54 : i32
        %add3A_60 = arith.constant 1 : i32
        %add3A_61 = arith.addi %mul3A_59, %add3A_60 : i32
        %dma_start3A = arith.constant 0 : i32
        %dma_start3A_62 = tpu.memref_slice %arg6[%mul3A_57, %dma_start3A] : memref<40x128xi32, #tpu.memory_space<vmem>> -> memref<1x128xi32, #tpu.memory_space<vmem>>
        %dma_start3A_63 = tpu.memref_squeeze %dma_start3A_62 : memref<1x128xi32, #tpu.memory_space<vmem>> -> memref<128xi32, #tpu.memory_space<vmem>>
        %dma_start3A_64 = arith.constant 0 : i32
        %dma_start3A_65 = arith.constant 0 : i32
        %dma_start3A_66 = tpu.memref_slice %arg4[%dma_start3A_64, %dma_start3A_65] : memref<10000x128xf32, #tpu.memory_space<hbm>> -> memref<10000x128xf32, #tpu.memory_space<hbm>>
        tpu.enqueue_indirect_dma source(%dma_start3A_66 : memref<10000x128xf32, #tpu.memory_space<hbm>>) target(%arg8 : memref<128x128xf32, #tpu.memory_space<vmem>>) offsets(%dma_start3A_63 : memref<128xi32, #tpu.memory_space<vmem>>) semaphore(%arg11 : memref<!tpu.dma_semaphore, #tpu.memory_space<semaphore_mem>>)
        %dma_start3A_67 = arith.constant 0 : i32
        %dma_start3A_68 = tpu.memref_slice %arg6[%add3A_61, %dma_start3A_67] : memref<40x128xi32, #tpu.memory_space<vmem>> -> memref<1x128xi32, #tpu.memory_space<vmem>>
        %dma_start3A_69 = tpu.memref_squeeze %dma_start3A_68 : memref<1x128xi32, #tpu.memory_space<vmem>> -> memref<128xi32, #tpu.memory_space<vmem>>
        %dma_start3A_70 = arith.constant 0 : i32
        %dma_start3A_71 = arith.constant 0 : i32
        %dma_start3A_72 = tpu.memref_slice %arg4[%dma_start3A_70, %dma_start3A_71] : memref<10000x128xf32, #tpu.memory_space<hbm>> -> memref<10000x128xf32, #tpu.memory_space<hbm>>
        tpu.enqueue_indirect_dma source(%dma_start3A_72 : memref<10000x128xf32, #tpu.memory_space<hbm>>) target(%arg9 : memref<128x128xf32, #tpu.memory_space<vmem>>) offsets(%dma_start3A_69 : memref<128xi32, #tpu.memory_space<vmem>>) semaphore(%arg12 : memref<!tpu.dma_semaphore, #tpu.memory_space<semaphore_mem>>)
        %dma_wait3A = arith.constant 0 : i32
        %dma_wait3A_73 = tpu.memref_slice %arg6[%mul3A_57, %dma_wait3A] : memref<40x128xi32, #tpu.memory_space<vmem>> -> memref<1x128xi32, #tpu.memory_space<vmem>>
        %dma_wait3A_74 = tpu.memref_squeeze %dma_wait3A_73 : memref<1x128xi32, #tpu.memory_space<vmem>> -> memref<128xi32, #tpu.memory_space<vmem>>
        %dma_wait3A_75 = arith.constant 0 : i32
        %dma_wait3A_76 = arith.constant 0 : i32
        %dma_wait3A_77 = tpu.memref_slice %arg4[%dma_wait3A_75, %dma_wait3A_76] : memref<10000x128xf32, #tpu.memory_space<hbm>> -> memref<10000x128xf32, #tpu.memory_space<hbm>>
        tpu.wait_indirect_dma semaphore(%arg11 : memref<!tpu.dma_semaphore, #tpu.memory_space<semaphore_mem>>) src(%dma_wait3A_77 : memref<10000x128xf32, #tpu.memory_space<hbm>>) dst(%arg8 : memref<128x128xf32, #tpu.memory_space<vmem>>)
        "tpu.region"() ({
          %run_scoped3A = tpu.sem_alloc : memref<!tpu.dma_semaphore, #tpu.memory_space<semaphore_mem>>
          %dma_start3A_85 = arith.constant 0 : i32
          %dma_start3A_86 = tpu.memref_slice %arg7[%mul3A_57, %dma_start3A_85] : memref<40x128xi32, #tpu.memory_space<vmem>> -> memref<1x128xi32, #tpu.memory_space<vmem>>
          %dma_start3A_87 = tpu.memref_squeeze %dma_start3A_86 : memref<1x128xi32, #tpu.memory_space<vmem>> -> memref<128xi32, #tpu.memory_space<vmem>>
          %dma_start3A_88 = arith.constant 0 : i32
          %dma_start3A_89 = arith.constant 0 : i32
          %dma_start3A_90 = tpu.memref_slice %arg10[%dma_start3A_88, %dma_start3A_89] : memref<10240x128xf32, #tpu.memory_space<vmem_shared>> -> memref<10240x128xf32, #tpu.memory_space<vmem_shared>>
          tpu.enqueue_indirect_dma source(%arg8 : memref<128x128xf32, #tpu.memory_space<vmem>>) target(%dma_start3A_90 : memref<10240x128xf32, #tpu.memory_space<vmem_shared>>) offsets(%dma_start3A_87 : memref<128xi32, #tpu.memory_space<vmem>>) semaphore(%run_scoped3A : memref<!tpu.dma_semaphore, #tpu.memory_space<semaphore_mem>>) {add = true}
          %dma_wait3A_91 = arith.constant 0 : i32
          %dma_wait3A_92 = tpu.memref_slice %arg7[%mul3A_57, %dma_wait3A_91] : memref<40x128xi32, #tpu.memory_space<vmem>> -> memref<1x128xi32, #tpu.memory_space<vmem>>
          %dma_wait3A_93 = tpu.memref_squeeze %dma_wait3A_92 : memref<1x128xi32, #tpu.memory_space<vmem>> -> memref<128xi32, #tpu.memory_space<vmem>>
          %dma_wait3A_94 = arith.constant 0 : i32
          %dma_wait3A_95 = arith.constant 0 : i32
          %dma_wait3A_96 = tpu.memref_slice %arg10[%dma_wait3A_94, %dma_wait3A_95] : memref<10240x128xf32, #tpu.memory_space<vmem_shared>> -> memref<10240x128xf32, #tpu.memory_space<vmem_shared>>
          tpu.wait_indirect_dma semaphore(%run_scoped3A : memref<!tpu.dma_semaphore, #tpu.memory_space<semaphore_mem>>) src(%arg8 : memref<128x128xf32, #tpu.memory_space<vmem>>) dst(%dma_wait3A_96 : memref<10240x128xf32, #tpu.memory_space<vmem_shared>>)
          tpu.yield
        }) : () -> ()
        %dma_wait3A_78 = arith.constant 0 : i32
        %dma_wait3A_79 = tpu.memref_slice %arg6[%add3A_61, %dma_wait3A_78] : memref<40x128xi32, #tpu.memory_space<vmem>> -> memref<1x128xi32, #tpu.memory_space<vmem>>
        %dma_wait3A_80 = tpu.memref_squeeze %dma_wait3A_79 : memref<1x128xi32, #tpu.memory_space<vmem>> -> memref<128xi32, #tpu.memory_space<vmem>>
        %dma_wait3A_81 = arith.constant 0 : i32
        %dma_wait3A_82 = arith.constant 0 : i32
        %dma_wait3A_83 = tpu.memref_slice %arg4[%dma_wait3A_81, %dma_wait3A_82] : memref<10000x128xf32, #tpu.memory_space<hbm>> -> memref<10000x128xf32, #tpu.memory_space<hbm>>
        tpu.wait_indirect_dma semaphore(%arg12 : memref<!tpu.dma_semaphore, #tpu.memory_space<semaphore_mem>>) src(%dma_wait3A_83 : memref<10000x128xf32, #tpu.memory_space<hbm>>) dst(%arg9 : memref<128x128xf32, #tpu.memory_space<vmem>>)
        "tpu.region"() ({
          %run_scoped3A = tpu.sem_alloc : memref<!tpu.dma_semaphore, #tpu.memory_space<semaphore_mem>>
          %dma_start3A_85 = arith.constant 0 : i32
          %dma_start3A_86 = tpu.memref_slice %arg7[%add3A_61, %dma_start3A_85] : memref<40x128xi32, #tpu.memory_space<vmem>> -> memref<1x128xi32, #tpu.memory_space<vmem>>
          %dma_start3A_87 = tpu.memref_squeeze %dma_start3A_86 : memref<1x128xi32, #tpu.memory_space<vmem>> -> memref<128xi32, #tpu.memory_space<vmem>>
          %dma_start3A_88 = arith.constant 0 : i32
          %dma_start3A_89 = arith.constant 0 : i32
          %dma_start3A_90 = tpu.memref_slice %arg10[%dma_start3A_88, %dma_start3A_89] : memref<10240x128xf32, #tpu.memory_space<vmem_shared>> -> memref<10240x128xf32, #tpu.memory_space<vmem_shared>>
          tpu.enqueue_indirect_dma source(%arg9 : memref<128x128xf32, #tpu.memory_space<vmem>>) target(%dma_start3A_90 : memref<10240x128xf32, #tpu.memory_space<vmem_shared>>) offsets(%dma_start3A_87 : memref<128xi32, #tpu.memory_space<vmem>>) semaphore(%run_scoped3A : memref<!tpu.dma_semaphore, #tpu.memory_space<semaphore_mem>>) {add = true}
          %dma_wait3A_91 = arith.constant 0 : i32
          %dma_wait3A_92 = tpu.memref_slice %arg7[%add3A_61, %dma_wait3A_91] : memref<40x128xi32, #tpu.memory_space<vmem>> -> memref<1x128xi32, #tpu.memory_space<vmem>>
          %dma_wait3A_93 = tpu.memref_squeeze %dma_wait3A_92 : memref<1x128xi32, #tpu.memory_space<vmem>> -> memref<128xi32, #tpu.memory_space<vmem>>
          %dma_wait3A_94 = arith.constant 0 : i32
          %dma_wait3A_95 = arith.constant 0 : i32
          %dma_wait3A_96 = tpu.memref_slice %arg10[%dma_wait3A_94, %dma_wait3A_95] : memref<10240x128xf32, #tpu.memory_space<vmem_shared>> -> memref<10240x128xf32, #tpu.memory_space<vmem_shared>>
          tpu.wait_indirect_dma semaphore(%run_scoped3A : memref<!tpu.dma_semaphore, #tpu.memory_space<semaphore_mem>>) src(%arg9 : memref<128x128xf32, #tpu.memory_space<vmem>>) dst(%dma_wait3A_96 : memref<10240x128xf32, #tpu.memory_space<vmem_shared>>)
          tpu.yield
        }) : () -> ()
        %scan3A_84 = arith.constant 0 : i32
        scf.yield %scan3A_84 : i32
      }
      %scan3A_52 = arith.constant 20 : i32
      %scan3A_53 = arith.constant 0 : i32
      scf.yield %scan3A_53 : i32
    }
    %scan3A_34 = arith.constant 2 : i32
    %barrier3A_35 = arith.constant 0 : index
    tpu.barrier barrier_id(%barrier3A_35)
    %mul3A_36 = arith.constant 640 : i32
    %mul3A_37 = arith.muli %arg1, %mul3A_36 : i32
    "tpu.region"() ({
      %run_scoped3A = tpu.sem_alloc : memref<!tpu.dma_semaphore, #tpu.memory_space<semaphore_mem>>
      %dma_start3A = arith.constant 0 : i32
      %dma_start3A_38 = arith.constant 0 : i32
      %dma_start3A_39 = tpu.memref_slice %arg5[%arg0, %dma_start3A, %dma_start3A_38] : memref<2x10240x128xf32, #tpu.memory_space<hbm>> -> memref<1x10240x128xf32, #tpu.memory_space<hbm>>
      %dma_start3A_40 = tpu.memref_squeeze %dma_start3A_39 : memref<1x10240x128xf32, #tpu.memory_space<hbm>> -> memref<10240x128xf32, #tpu.memory_space<hbm>>
      %dma_start3A_41 = arith.constant 0 : i32
      %dma_start3A_42 = tpu.memref_slice %dma_start3A_40[%mul3A_37, %dma_start3A_41] : memref<10240x128xf32, #tpu.memory_space<hbm>> -> memref<640x128xf32, #tpu.memory_space<hbm>>
      %dma_start3A_43 = arith.constant 0 : i32
      %dma_start3A_44 = tpu.memref_slice %arg10[%mul3A_37, %dma_start3A_43] : memref<10240x128xf32, #tpu.memory_space<vmem_shared>> -> memref<640x128xf32, #tpu.memory_space<vmem_shared>>
      tpu.enqueue_dma source(%dma_start3A_44 : memref<640x128xf32, #tpu.memory_space<vmem_shared>>) target(%dma_start3A_42 : memref<640x128xf32, #tpu.memory_space<hbm>>) target_semaphore(%run_scoped3A : memref<!tpu.dma_semaphore, #tpu.memory_space<semaphore_mem>>)
      %dma_wait3A = arith.constant 0 : i32
      %dma_wait3A_45 = arith.constant 0 : i32
      %dma_wait3A_46 = tpu.memref_slice %arg5[%arg0, %dma_wait3A, %dma_wait3A_45] : memref<2x10240x128xf32, #tpu.memory_space<hbm>> -> memref<1x10240x128xf32, #tpu.memory_space<hbm>>
      %dma_wait3A_47 = tpu.memref_squeeze %dma_wait3A_46 : memref<1x10240x128xf32, #tpu.memory_space<hbm>> -> memref<10240x128xf32, #tpu.memory_space<hbm>>
      %dma_wait3A_48 = arith.constant 0 : i32
      %dma_wait3A_49 = tpu.memref_slice %dma_wait3A_47[%mul3A_37, %dma_wait3A_48] : memref<10240x128xf32, #tpu.memory_space<hbm>> -> memref<640x128xf32, #tpu.memory_space<hbm>>
      %dma_wait3A_50 = arith.constant 0 : i32
      %dma_wait3A_51 = tpu.memref_slice %arg10[%mul3A_37, %dma_wait3A_50] : memref<10240x128xf32, #tpu.memory_space<vmem_shared>> -> memref<640x128xf32, #tpu.memory_space<vmem_shared>>
      tpu.wait_dma2 semaphore(%run_scoped3A : memref<!tpu.dma_semaphore, #tpu.memory_space<semaphore_mem>>) src(%dma_wait3A_51 : memref<640x128xf32, #tpu.memory_space<vmem_shared>>) dst(%dma_wait3A_49 : memref<640x128xf32, #tpu.memory_space<hbm>>)
      tpu.yield
    }) : () -> ()
    return
  }
}

module attributes {stable_mosaic.version = 14 : i64} {
  func.func @_tc_deghist(%arg0: i32, %arg1: memref<8192x1xf32, #tpu.memory_space<vmem>>, %arg2: memref<80x128xf32, #tpu.memory_space<vmem>>) attributes {dimension_semantics = [#tpu.dimension_semantics<arbitrary>], iteration_bounds = array<i64: 40>, scalar_prefetch = 0 : i64, scratch_operands = 0 : i64, tpu.core_type = #tpu.core_type<tc>, window_params = [{transform_indices = @transform_0, window_bounds = array<i64: 8192, 1>}, {pipeline_mode = #tpu.pipeline_mode<synchronous>, transform_indices = @transform_1, window_bounds = array<i64: 80, 128>}]} {
    %get3A = arith.constant 0 : index
    %get3A_0 = arith.constant 0 : index
    %get3A_1 = vector.load %arg1[%get3A, %get3A_0] : memref<8192x1xf32, #tpu.memory_space<vmem>>, vector<8192x1xf32>
    %mul3A = arith.constant 7.812500e-03 : f32
    %mul3A_2 = vector.broadcast %mul3A : f32 to vector<8192x1xf32>
    %mul3A_3 = arith.mulf %get3A_1, %mul3A_2 : vector<8192x1xf32>
    %floor3A = math.floor %mul3A_3 : vector<8192x1xf32>
    %mul3A_4 = arith.constant 1.280000e+02 : f32
    %mul3A_5 = vector.broadcast %mul3A_4 : f32 to vector<8192x1xf32>
    %mul3A_6 = arith.mulf %floor3A, %mul3A_5 : vector<8192x1xf32>
    %sub3A = arith.subf %get3A_1, %mul3A_6 : vector<8192x1xf32>
    %iota3A = tpu.iota {dimensions = array<i32: 1>} : vector<1x80xi32>
    %convert_element_type3A = arith.sitofp %iota3A : vector<1x80xi32> to vector<1x80xf32>
    %iota3A_7 = tpu.iota {dimensions = array<i32: 1>} : vector<1x128xi32>
    %convert_element_type3A_8 = arith.sitofp %iota3A_7 : vector<1x128xi32> to vector<1x128xf32>
    %eq3A = vector.broadcast %floor3A : vector<8192x1xf32> to vector<8192x80xf32>
    %eq3A_9 = vector.broadcast %convert_element_type3A : vector<1x80xf32> to vector<8192x80xf32>
    %eq3A_10 = arith.cmpf oeq, %eq3A, %eq3A_9 : vector<8192x80xf32>
    %convert_element_type3A_11 = arith.extui %eq3A_10 : vector<8192x80xi1> to vector<8192x80xi32>
    %convert_element_type3A_12 = arith.sitofp %convert_element_type3A_11 : vector<8192x80xi32> to vector<8192x80xf32>
    %convert_element_type3A_13 = arith.truncf %convert_element_type3A_12 : vector<8192x80xf32> to vector<8192x80xbf16>
    %eq3A_14 = vector.broadcast %sub3A : vector<8192x1xf32> to vector<8192x128xf32>
    %eq3A_15 = vector.broadcast %convert_element_type3A_8 : vector<1x128xf32> to vector<8192x128xf32>
    %eq3A_16 = arith.cmpf oeq, %eq3A_14, %eq3A_15 : vector<8192x128xf32>
    %convert_element_type3A_17 = arith.extui %eq3A_16 : vector<8192x128xi1> to vector<8192x128xi32>
    %convert_element_type3A_18 = arith.sitofp %convert_element_type3A_17 : vector<8192x128xi32> to vector<8192x128xf32>
    %convert_element_type3A_19 = arith.truncf %convert_element_type3A_18 : vector<8192x128xf32> to vector<8192x128xbf16>
    %dot_general3A = arith.constant dense<0.000000e+00> : vector<80x128xf32>
    %dot_general3A_20 = tpu.matmul %convert_element_type3A_13, %convert_element_type3A_19, %dot_general3A {dimension_numbers = #tpu.dot_dimension_numbers<[0], [0], [1], [1], [0, 1, 1, 1], [], []>, transpose_lhs_hint = false} : vector<8192x80xbf16>, vector<8192x128xbf16>, vector<80x128xf32> -> vector<80x128xf32>
    %eq3A_21 = arith.constant 0 : i32
    %eq3A_22 = arith.cmpi eq, %arg0, %eq3A_21 : i32
    %convert_element_type3A_23 = arith.extui %eq3A_22 : i1 to i32
    %cond3A = arith.constant 0 : i32
    %cond3A_24 = arith.cmpi ne, %convert_element_type3A_23, %cond3A : i32
    scf.if %cond3A_24 {
      %swap3A = arith.constant 0 : index
      %swap3A_29 = arith.constant 0 : index
      %swap3A_30 = vector.load %arg2[%swap3A, %swap3A_29] : memref<80x128xf32, #tpu.memory_space<vmem>>, vector<80x128xf32>
      tpu.vector_store %arg2[%swap3A, %swap3A_29], %dot_general3A_20 {strides = array<i32>} : memref<80x128xf32, #tpu.memory_space<vmem>>, vector<80x128xf32>,
    } else {
    }
    %gt3A = arith.constant 0 : i32
    %gt3A_25 = arith.cmpi sgt, %arg0, %gt3A : i32
    %convert_element_type3A_26 = arith.extui %gt3A_25 : i1 to i32
    %cond3A_27 = arith.constant 0 : i32
    %cond3A_28 = arith.cmpi ne, %convert_element_type3A_26, %cond3A_27 : i32
    scf.if %cond3A_28 {
      %get3A_29 = arith.constant 0 : index
      %get3A_30 = arith.constant 0 : index
      %get3A_31 = vector.load %arg2[%get3A_29, %get3A_30] : memref<80x128xf32, #tpu.memory_space<vmem>>, vector<80x128xf32>
      %add3A = arith.addf %get3A_31, %dot_general3A_20 : vector<80x128xf32>
      %swap3A = arith.constant 0 : index
      %swap3A_32 = arith.constant 0 : index
      %swap3A_33 = vector.load %arg2[%swap3A, %swap3A_32] : memref<80x128xf32, #tpu.memory_space<vmem>>, vector<80x128xf32>
      tpu.vector_store %arg2[%swap3A, %swap3A_32], %add3A {strides = array<i32>} : memref<80x128xf32, #tpu.memory_space<vmem>>, vector<80x128xf32>,
    } else {
    }
    return
  }
  func.func @transform_0(%arg0: i32) -> (i32, i32) {
    %c0_i32 = arith.constant 0 : i32
    %c0_i32_0 = arith.constant 0 : i32
    return %arg0, %c0_i32 : i32, i32
  }
  func.func @transform_1(%arg0: i32) -> (i32, i32) {
    %c0_i32 = arith.constant 0 : i32
    %c0_i32_0 = arith.constant 0 : i32
    %c0_i32_1 = arith.constant 0 : i32
    return %c0_i32, %c0_i32_0 : i32, i32
  }
}

module attributes {stable_mosaic.version = 14 : i64} {
  func.func @_tc_degnorm(%arg0: memref<80x128xf32, #tpu.memory_space<vmem>>, %arg1: memref<80x128xf32, #tpu.memory_space<vmem>>) attributes {dimension_semantics = [], scalar_prefetch = 0 : i64, scratch_operands = 0 : i64, tpu.core_type = #tpu.core_type<tc>} {
    %get3A = arith.constant 0 : index
    %get3A_0 = arith.constant 0 : index
    %get3A_1 = vector.load %arg0[%get3A, %get3A_0] : memref<80x128xf32, #tpu.memory_space<vmem>>, vector<80x128xf32>
    %add3A = arith.constant 1.000000e+00 : f32
    %add3A_2 = vector.broadcast %add3A : f32 to vector<80x128xf32>
    %add3A_3 = arith.addf %get3A_1, %add3A_2 : vector<80x128xf32>
    %rsqrt3A = math.rsqrt %add3A_3 : vector<80x128xf32>
    %swap3A = arith.constant 0 : index
    %swap3A_4 = arith.constant 0 : index
    %swap3A_5 = vector.load %arg1[%swap3A, %swap3A_4] : memref<80x128xf32, #tpu.memory_space<vmem>>, vector<80x128xf32>
    tpu.vector_store %arg1[%swap3A, %swap3A_4], %rsqrt3A {strides = array<i32>} : memref<80x128xf32, #tpu.memory_space<vmem>>, vector<80x128xf32>,
    return
  }
}

module attributes {stable_mosaic.version = 14 : i64} {
  func.func @_tc_finish(%arg0: i32, %arg1: memref<1024x128xf32, #tpu.memory_space<vmem>>, %arg2: memref<1024x128xf32, #tpu.memory_space<vmem>>, %arg3: memref<1024x128xf32, #tpu.memory_space<vmem>>, %arg4: memref<1024x128xf32, #tpu.memory_space<vmem>>, %arg5: memref<128x128xf32, #tpu.memory_space<vmem>>, %arg6: memref<1x128xf32, #tpu.memory_space<vmem>>, %arg7: memref<1024x128xf32, #tpu.memory_space<vmem>>) attributes {dimension_semantics = [#tpu.dimension_semantics<arbitrary>], iteration_bounds = array<i64: 10>, scalar_prefetch = 0 : i64, scratch_operands = 0 : i64, tpu.core_type = #tpu.core_type<tc>, window_params = [{transform_indices = @transform_0, window_bounds = array<i64: 1024, 128>}, {transform_indices = @transform_1, window_bounds = array<i64: 1024, 128>}, {transform_indices = @transform_2, window_bounds = array<i64: 1024, 128>}, {transform_indices = @transform_3, window_bounds = array<i64: 1024, 128>}, {pipeline_mode = #tpu.pipeline_mode<synchronous>, transform_indices = @transform_4, window_bounds = array<i64: 128, 128>}, {pipeline_mode = #tpu.pipeline_mode<synchronous>, transform_indices = @transform_5, window_bounds = array<i64: 1, 128>}, {transform_indices = @transform_6, window_bounds = array<i64: 1024, 128>}]} {
    %get3A = arith.constant 0 : index
    %get3A_0 = arith.constant 0 : index
    %get3A_1 = vector.load %arg1[%get3A, %get3A_0] : memref<1024x128xf32, #tpu.memory_space<vmem>>, vector<1024x128xf32>
    %get3A_2 = arith.constant 0 : index
    %get3A_3 = arith.constant 0 : index
    %get3A_4 = vector.load %arg2[%get3A_2, %get3A_3] : memref<1024x128xf32, #tpu.memory_space<vmem>>, vector<1024x128xf32>
    %add3A = arith.addf %get3A_1, %get3A_4 : vector<1024x128xf32>
    %get3A_5 = arith.constant 0 : index
    %get3A_6 = arith.constant 0 : index
    %get3A_7 = vector.load %arg3[%get3A_5, %get3A_6] : memref<1024x128xf32, #tpu.memory_space<vmem>>, vector<1024x128xf32>
    %add3A_8 = arith.addf %add3A, %get3A_7 : vector<1024x128xf32>
    %get3A_9 = arith.constant 0 : index
    %get3A_10 = arith.constant 0 : index
    %get3A_11 = vector.load %arg4[%get3A_9, %get3A_10] : memref<1024x128xf32, #tpu.memory_space<vmem>>, vector<1024x128xf32>
    %mul3A = arith.mulf %add3A_8, %get3A_11 : vector<1024x128xf32>
    %get3A_12 = arith.constant 0 : index
    %get3A_13 = arith.constant 0 : index
    %get3A_14 = vector.load %arg5[%get3A_12, %get3A_13] : memref<128x128xf32, #tpu.memory_space<vmem>>, vector<128x128xf32>
    %dot_general3A = arith.constant dense<0.000000e+00> : vector<1024x128xf32>
    %dot_general3A_15 = tpu.matmul %mul3A, %get3A_14, %dot_general3A {dimension_numbers = #tpu.dot_dimension_numbers<[1], [0], [0], [1], [0, 0, 1, 1], [], []>, transpose_lhs_hint = false} : vector<1024x128xf32>, vector<128x128xf32>, vector<1024x128xf32> -> vector<1024x128xf32>
    %get3A_16 = arith.constant 0 : index
    %get3A_17 = arith.constant 0 : index
    %get3A_18 = vector.load %arg6[%get3A_16, %get3A_17] : memref<1x128xf32, #tpu.memory_space<vmem>>, vector<1x128xf32>
    %add3A_19 = vector.broadcast %get3A_18 : vector<1x128xf32> to vector<1024x128xf32>
    %add3A_20 = arith.addf %dot_general3A_15, %add3A_19 : vector<1024x128xf32>
    %swap3A = arith.constant 0 : index
    %swap3A_21 = arith.constant 0 : index
    %swap3A_22 = vector.load %arg7[%swap3A, %swap3A_21] : memref<1024x128xf32, #tpu.memory_space<vmem>>, vector<1024x128xf32>
    tpu.vector_store %arg7[%swap3A, %swap3A_21], %add3A_20 {strides = array<i32>} : memref<1024x128xf32, #tpu.memory_space<vmem>>, vector<1024x128xf32>,
    return
  }
  func.func @transform_0(%arg0: i32) -> (i32, i32) {
    %c0_i32 = arith.constant 0 : i32
    %c0_i32_0 = arith.constant 0 : i32
    return %arg0, %c0_i32 : i32, i32
  }
  func.func @transform_1(%arg0: i32) -> (i32, i32) {
    %c0_i32 = arith.constant 0 : i32
    %c0_i32_0 = arith.constant 0 : i32
    return %arg0, %c0_i32 : i32, i32
  }
  func.func @transform_2(%arg0: i32) -> (i32, i32) {
    %c0_i32 = arith.constant 0 : i32
    %c0_i32_0 = arith.constant 0 : i32
    return %arg0, %c0_i32 : i32, i32
  }
  func.func @transform_3(%arg0: i32) -> (i32, i32) {
    %c0_i32 = arith.constant 0 : i32
    %c0_i32_0 = arith.constant 0 : i32
    return %arg0, %c0_i32 : i32, i32
  }
  func.func @transform_4(%arg0: i32) -> (i32, i32) {
    %c0_i32 = arith.constant 0 : i32
    %c0_i32_0 = arith.constant 0 : i32
    %c0_i32_1 = arith.constant 0 : i32
    return %c0_i32, %c0_i32_0 : i32, i32
  }
  func.func @transform_5(%arg0: i32) -> (i32, i32) {
    %c0_i32 = arith.constant 0 : i32
    %c0_i32_0 = arith.constant 0 : i32
    %c0_i32_1 = arith.constant 0 : i32
    return %c0_i32, %c0_i32_0 : i32, i32
  }
  func.func @transform_6(%arg0: i32) -> (i32, i32) {
    %c0_i32 = arith.constant 0 : i32
    %c0_i32_0 = arith.constant 0 : i32
    return %arg0, %c0_i32 : i32, i32
  }
}

</mosaic_0001>

<sc_bundles>
// kernel: kernel.6.cloned.1.call-start
scs
__scs_entry_jumppad:
0x0: {  	(pc) =	sbr.rel $0x88, $3  }
0x1: {  	(tag) =	ssettag $0x0;
	lr =	simm.s32 $0x1  }
0x2: {  	[smem:$0x3F9D] =	sst lr;
	_ =	strace $0xD0000000  }
0x3: {  	_ = 	snop  }
0x4: {  	_ = 	snop  }
0x5: {  	_ = 	snop  }
0x6: {  	_ = 	snop  }
0x7: {  	_ = 	snop  }
__scs_overlays_trampoline_lowered:
0x8: {  	[smem:$0x3FAC] =	sst s0  }
0x9: {  	[smem:$0x3FAD] =	sst s1  }
0xa: {  	[smem:$0x3FAE] =	sst s2  }
0xb: {  	[smem:$0x3FAF] =	sst s3  }
0xc: {  	[smem:$0x3FB0] =	sst s4  }
0xd: {  	[smem:$0x3FB1] =	sst s5  }
0xe: {  	[smem:$0x3FB2] =	sst s6  }
0xf: {  	[smem:$0x3FB3] =	sst s7  }
0x10: {  	[smem:$0x3FB4] =	sst s8  }
0x11: {  	[smem:$0x3FB5] =	sst s9;
	s0 =	simm.s32 @!p0 $0x0  }
0x12: {  	s1 =	sld [smem:$0x3F9B];
	s0 =	simm.s32 @p0 $0x1  }
0x13: {  	[smem:$0x3FB6] =	sst s0;
	s0 =	simm.s32 @!p1 $0x0  }
0x14: {  	s2 =	sld [smem:$0x3F9A];
	s0 =	simm.s32 @p1 $0x1  }
0x15: {  	[smem:$0x3FB7] =	sst s0;
	s0 =	simm.s32 @!p2 $0x0  }
0x16: {  	s3 =	sld [smem:$0x3FDB];
	s0 =	simm.s32 @p2 $0x1  }
0x17: {  	s4 =	simm.s32 $0x1BF5;
	[smem:$0x3FB9] =	sst s0  }
0x18: {  	s0 =	sld [smem:$0x3F9C];
	_ =	swait.ge [sflag:s4], $0x0  }
0x19: {  	s7 =	sld [smem:$0x3F9D]  }
0x1a: {  	s8 =	sadd.s32 $0xFFFFE003, lr  }
0x1b: {  	s9 =	sadd.s32 $0xFFFFFEF7, lr;
	s5 =	simm.s32 $0xFFFFFFFF;
	p2 =	slt.u32 s8, $0xFFFFF086  }
0x1c: {  	p1 =	slt.u32 s9, $0xF7A;
	s5 =	simm.s32 @!p2 $0x0  }
0x1d: {  	s5 =	simm.s32 @p1 $0x1;
	p0 =	seq.s32 s7, s2  }
0x1e: {  	s7 =	smul.u32 @!p0 $0xF7A, s2;
	p2 =	seq.s32 @!p0 s5, $0x0  }
0x1f: {  	s9 =	smul.u32 $0xF7A, s1;
	s8 =	simm.s32 @!p0 $0x1BF5;
	p2 =	por !p2, p0  }
0x20: {  	[sflag:s8] =	ssyncset.s32 @!p0 $0xFFFFF086;
	s6 =	sadd.s32 @!p0 s3, s7;
	s7 =	simm.s32 @!p0 $0x108  }
0x21: {  	s3 =	sadd.s32 s3, s9;
	s6 =	sadd.s32 @!p0 $0x88, s6;
	s7 =	simm.s32 @p2 $0x1082  }
0x22: {  	[simem:s7], [sflag:s8] =	dma.local @!p0 [hbm:s6], $0xF7A  }
0x23: {  	s9 =	sor.u32 $0xD0000000, s2;
	s6 =	simm.s32 $0x108;
	_ =	swait.ge @!p0 [sflag:s8], $0x0  }
0x24: {  	s3 =	sadd.s32 $0x88, s3;
	s6 =	simm.s32 @!p1 $0x1082;
	[sflag:s4] =	ssyncset.s32 $0xFFFFF086  }
0x25: {  	[simem:s6], [sflag:s4] =	dma.local [hbm:s3], $0xF7A  }
0x26: {  	[smem:$0x3F9D] =	sst s1;
	(tag) =	ssettag s2;
	_ =	strace s9  }
0x27: {  	s1 =	sld [smem:$0x3FAD]  }
0x28: {  	s2 =	sld [smem:$0x3FAE]  }
0x29: {  	s4 =	sld [smem:$0x3FB0]  }
0x2a: {  	p0 =	seq.s32 s5, $0x0;
	s5 =	sld [smem:$0x3FB1]  }
0x2b: {  	s6 =	sld [smem:$0x3FB2]  }
0x2c: {  	s7 =	sld [smem:$0x3FB3]  }
0x2d: {  	s3 =	simm.s32 $0x108;
	s8 =	sld [smem:$0x3FB4]  }
0x2e: {  	s3 =	simm.s32 @!p0 $0x1082;
	s9 =	sld [smem:$0x3FB5]  }
0x2f: {  	lr =	sadd.s32 s0, s3;
	s0 =	sld [smem:$0x3FAC]  }
0x30: {  	s3 =	sld [smem:$0x3FAF]  }
0x31: {  	[smem:$0x3FB8] =	sst s10  }
0x32: {  	s10 =	sld [smem:$0x3FB6];
	_ =	sdelay $0x3  }
0x33: {  	p0 =	seq.s32 s10, $0x1;
	s10 =	sld [smem:$0x3FB8];
	_ =	sdelay $0x3  }
0x34: {  	[smem:$0x3FB8] =	sst s10  }
0x35: {  	s10 =	sld [smem:$0x3FB7];
	_ =	sdelay $0x3  }
0x36: {  	p1 =	seq.s32 s10, $0x1;
	s10 =	sld [smem:$0x3FB8];
	_ =	sdelay $0x3  }
0x37: {  	[smem:$0x3FB8] =	sst s10  }
0x38: {  	s10 =	sld [smem:$0x3FB9]  }
0x39: {  	_ = 	snop;
	(pc) =	sbr.ind lr, $3  }
0x3a: {  	_ = 	snop  }
0x3b: {  	_ = 	snop  }
0x3c: {  	p2 =	seq.s32 s10, $0x1;
	s10 =	sld [smem:$0x3FB8]  }
0x3d: {  	_ =	shalt  }
0x3e: {  	_ =	shalt  }
0x3f: {  	_ =	shalt  }
0x40: {  	_ =	shalt  }
0x41: {  	_ =	shalt  }
0x42: {  	_ =	shalt  }
0x43: {  	_ =	shalt  }
0x44: {  	_ =	shalt  }
0x45: {  	_ =	shalt  }
0x46: {  	_ =	shalt  }
0x47: {  	_ =	shalt  }
0x48: {  	_ =	shalt  }
0x49: {  	_ =	shalt  }
0x4a: {  	_ =	shalt  }
0x4b: {  	_ =	shalt  }
0x4c: {  	_ =	shalt  }
0x4d: {  	_ =	shalt  }
0x4e: {  	_ =	shalt  }
0x4f: {  	_ =	shalt  }
0x50: {  	_ =	shalt  }
0x51: {  	_ =	shalt  }
0x52: {  	_ =	shalt  }
0x53: {  	_ =	shalt  }
0x54: {  	_ =	shalt  }
0x55: {  	_ =	shalt  }
0x56: {  	_ =	shalt  }
0x57: {  	_ =	shalt  }
0x58: {  	_ =	shalt  }
0x59: {  	_ =	shalt  }
0x5a: {  	_ =	shalt  }
0x5b: {  	_ =	shalt  }
0x5c: {  	_ =	shalt  }
0x5d: {  	_ =	shalt  }
0x5e: {  	_ =	shalt  }
0x5f: {  	_ =	shalt  }
0x60: {  	_ =	shalt  }
0x61: {  	_ =	shalt  }
0x62: {  	_ =	shalt  }
0x63: {  	_ =	shalt  }
0x64: {  	_ =	shalt  }
0x65: {  	_ =	shalt  }
0x66: {  	_ =	shalt  }
0x67: {  	_ =	shalt  }
0x68: {  	_ =	shalt  }
0x69: {  	_ =	shalt  }
0x6a: {  	_ =	shalt  }
0x6b: {  	_ =	shalt  }
0x6c: {  	_ =	shalt  }
0x6d: {  	_ =	shalt  }
0x6e: {  	_ =	shalt  }
0x6f: {  	_ =	shalt  }
0x70: {  	_ =	shalt  }
0x71: {  	_ =	shalt  }
0x72: {  	_ =	shalt  }
0x73: {  	_ =	shalt  }
0x74: {  	_ =	shalt  }
0x75: {  	_ =	shalt  }
0x76: {  	_ =	shalt  }
0x77: {  	_ =	shalt  }
0x78: {  	_ =	shalt  }
0x79: {  	_ =	shalt  }
0x7a: {  	_ =	shalt  }
0x7b: {  	_ =	shalt  }
0x7c: {  	_ =	shalt  }
0x7d: {  	_ =	shalt  }
0x7e: {  	_ =	shalt  }
0x7f: {  	_ =	shalt  }
0x80: {  	_ =	shalt  }
0x81: {  	_ =	shalt  }
0x82: {  	_ =	shalt  }
0x83: {  	_ =	shalt  }
0x84: {  	_ =	shalt  }
0x85: {  	_ =	shalt  }
0x86: {  	_ =	shalt  }
0x87: {  	_ =	shalt  }
.Lfunc_end0:
.L_simem_size_0:
called_computation_lowered:
.L_overlay_start_0:
0x88: {  	s2 =	sld [smem:$0x3FD9]  }
0x89: {  	s3 =	sld [smem:$0x3FFE];
	_ =	sdelay $0x1  }
0x8a: {  	s1 =	srdreg.scid  }
0x8b: {  	s0 =	sand.u32 $0x1, s1  }
0x8c: {  	s17 =	sshll.u32 s0, $0xA;
	s2 =	sadd.s32 s3, s2  }
0x8d: {  	s2 =	sadd.s32 s2, s17  }
0x8e: {  	[smem:$0x3FC4] =	sst s2  }
0x8f: {  	_ = 	snop  }
0x90: {  	s2 =	sld [smem:$0x3FC9]  }
0x91: {  	s18 =	sld [smem:$0x3FD0];
	(tm) =	ssettm $0x1  }
0x92: {  	s4 =	sld [smem:$0x3FFB];
	_ =	sdelay $0x3  }
0x93: {  	_ =	strace s4  }
0x94: {  	s4 =	sld [smem:$0x3FFC];
	_ =	sdelay $0x3  }
0x95: {  	_ =	strace s4  }
0x96: {  	s4 =	sld [smem:$0x3FFD];
	_ =	sdelay $0x3  }
0x97: {  	_ =	strace s4  }
0x98: {  	_ =	strace $0x8FFFFFFF  }
0x99: {  	s19 =	sld [smem:$0x3FDB];
	_ =	sdelay $0x1  }
0x9a: {  	s5 =	simm.s32 $_scs_section_size  }
0x9b: {  	s6 =	simm.s32 $_size__tile_overlayer_lowered;
	s7 =	simm.s32 $_tile_overlayer_lowered  }
0x9c: {  	s22 =	simm.s32 $0x1BFF;
	s21 =	sshll.u32 s7, $0x1;
	s4 =	sadd.s32 s5, s19  }
0x9d: {  	s8 =	simm.s32 $0x0;
	s20 =	sshll.u32 s6, $0x1;
	s6 =	sadd.s32 s21, s4  }
0x9e: {  	[timem:s8], [sflag:s22] =	dma.local [hbm:s6], s20  }
0x9f: {  	_ =	swait.ge [sflag:s22], s20  }
0xa0: {  	s5 =	ssub.s32 $0x0, s20;
	[sflag:s22] =	ssyncset.done $0x0  }
0xa1: {  	[sflag:s22] =	ssyncadd.s32 s5;
	_ =	sdelay $0x1  }
0xa2: {  	s23 =	simm.s32 $0x1B8B  }
0xa3: {  	_ =	swait.ge [sflag:s23], $0x1  }
0xa4: {  	[sflag:s23] =	ssyncset.done $0x0  }
0xa5: {  	s25 =	simm.s32 $0x1B8E;
	s24 =	sld [smem:$0x3FFE];
	[sflag:s23] =	ssyncadd.s32 $0xFFFFFFFF  }
0xa6: {  	s26 =	simm.s32 $execute0_lowered;
	[smem:$0x3FD2] =	sst s25  }
0xa7: {  	s6 =	sshll.u32 s26, $0x1;
	_ =	strace $0x80000046;
	[dreg:$0x1] =	wrdreg $0xFFFFFFFF  }
0xa8: {  	s28 =	simm.s32 $_size_execute0_lowered;
	s4 =	sadd.s32 s4, s6;
	[dreg:$0x0] =	wrdreg $0x0  }
0xa9: {  	s6 =	sshll.u32 s28, $0x1;
	[dreg:$0x2] =	wrdreg s4  }
0xaa: {  	[dreg:$0x3] =	wrdreg s6  }
0xab: {  	[dreg:$0x4] =	wrdreg $0xC0  }
0xac: {  	_ =	task [dreg:s8], $0x5FFFF  }
0xad: {  	[dreg:$0x1] =	wrdreg $0xFFFFFFFF  }
0xae: {  	[dreg:$0x0] =	wrdreg $0x60  }
0xaf: {  	[dreg:$0x2] =	wrdreg s18  }
0xb0: {  	[dreg:$0x3] =	wrdreg s24  }
0xb1: {  	[dreg:$0x4] =	wrdreg s2  }
0xb2: {  	[dreg:$0x5] =	wrdreg $0xA8000  }
0xb3: {  	[dreg:$0x6] =	wrdreg $0x9  }
0xb4: {  	_ =	task.clear_ibuf [dreg:s8], $0x7FFFF;
	_ =	strace $0x90000046  }
0xb5: {  	s29 =	simm.s32 $0x9;
	_ =	strace $0x80000048  }
0xb6: {  	_ =	swait.ge [sflag:s29], $0x1  }
0xb7: {  	[sflag:s29] =	ssyncadd.s32 $0xFFFFFFFF  }
0xb8: {  	_ =	strace $0x90000048  }
0xb9: {  	_ =	sfence  }
0xba: {  	s30 =	sld [smem:$0x0];
	_ =	sdelay $0x2  }
0xbb: {  	s31 =	sshll.u32 s1, $0xD;
	s1 =	sshrl.u32 s1, $0x2  }
0xbc: {  	s3 =	sand.u32 $0x4000, s31;
	s1 =	sadd.s32 s1, s30  }
0xbd: {  	s0 =	sor.u32 s3, s0;
	s1 =	sshll.u32 s1, $0x11  }
0xbe: {  	s0 =	sor.u32 s1, s0  }
0xbf: {  	s0 =	sadd.s32 $0x8F2B, s0  }
0xc0: {  	[sflag:s0] =	ssyncadd.remote.s32 $0x1  }
0xc1: {  	_ =	sfence.sel $0xFFFF  }
0xc2: {  	[dreg:$0x0] =	wrdreg $0xFFFFFFFF;
	(pc) =	sbr.abs _section_cstart, $3  }
0xc3: {  	[dreg:$0x1] =	wrdreg $0xFFFFFFFF  }
0xc4: {  	_ =	task.clear_ibuf [dreg:s8], $0x2FFFF;
	_ =	strace $0x9FFFFFFF  }
0xc5: {  	(tm) =	ssettm $0x7FFFFFFF  }
tec
execute0_lowered:
.L_overlay_start_1:
0x0: {  	(tag) =	ssettag $0x1  }
0x1: {  	s13 =	rddreg [dreg:$0x0]  }
0x2: {  	s5 =	rddreg [dreg:$0x1]  }
0x3: {  	s1 =	rddreg [dreg:$0x2]  }
0x4: {  	s2 =	rddreg [dreg:$0x3]  }
0x5: {  	s0 =	rddreg [dreg:$0x4]  }
0x6: {  	s3 =	simm.s32 $0x0;
	s4 =	srdreg.scid;
	s16 =	simm.s32 $0x3  }
0x7: {  	s17 =	simm.s32 $0x1400;
	s18 =	simm.s32 $0x80;
	s19 =	simm.s32 $0x6800  }
0x8: {  	s20 =	simm.s32 $0x1;
	s21 =	simm.s32 $0x2;
	[smem:$0x7FF] =	sst s3  }
0x9: {  	s6 =	sand.u32 $0x1, s4;
	s4 =	stileid.u32;
	s14 =	sadd.s32 $0xC00, s5  }
0xa: {  	s7 =	smul.u32 $0x28000, s6;
	_ =	strace $0x80000047;
	s8 =	ssub.s32 $0x2, s6  }
0xb: {  	s9 =	smul.u32 $0x50000, s4;
	s30 =	sshll.u32 s4, $0x2;
	s6 =	sshll.u32 s6, $0x1  }
0xc: {  	s23 =	smul.u32 $0x2800, s4;
	s28 =	sshrl.u32 s8, $0x1;
	s31 =	sor.u32 s6, s30  }
0xd: {  	s10 =	sadd.s32 s7, s5;
	s29 =	sshrl.u32 s9, $0x2;
	s11 =	ssub.s32 s8, s28  }
0xe: {  	s12 =	smul.u32 $0x280, s31;
	s5 =	sadd.s32 s29, s2;
	s22 =	sadd.s32 $0xAC00, s10  }
0xf: {  	s10 =	smax.u32 s11, $0x1;
	s6 =	sadd.s32 $0x4000, s5;
	s7 =	sadd.s32 $0x8000, s5  }
0x10: {  	s8 =	sadd.s32 $0xC000, s5;
	s9 =	sadd.s32 $0x10000, s5;
	s15 =	sadd.s32 $0x280, s12  }
0x11: {  	s11 =	sadd.s32 s13, s12;
	s12 =	sadd.s32 s14, s12;
	s22 =	sadd.s32 s23, s22  }
0x12: {  	v0 =	vimm.f32 $0.0e+00;
	s13 =	sadd.s32 s13, s15;
	s14 =	sadd.s32 s14, s15;
	s15 =	simm.s32 $0x2800  }
.LBB2_1:
0x13: {  	s23 =	simm.s32 $0x0;
	s24 =	simm.s32 $0x200  }
.LBB2_2:
0x14: {  	p0 =	sne.s32 s24, $0xFE00;
	[tilespmem:s23+$0x2870] =	vst v0  }
0x15: {  	[tilespmem:s23+$0x2800] =	vst v0  }
0x16: {  	[tilespmem:s23+$0x2810] =	vst v0  }
.Ltmp0:
0x17: {  	[tilespmem:s23+$0x2820] =	vst v0;
	(pc) =	sbr.rel @p0 .LBB2_2-.Ltmp0, $4  }
0x18: {  	[tilespmem:s23+$0x2830] =	vst v0  }
0x19: {  	[tilespmem:s23+$0x2840] =	vst v0  }
0x1a: {  	[tilespmem:s23+$0x2850] =	vst v0  }
0x1b: {  	[tilespmem:s23+$0x2860] =	vst v0;
	s23 =	sshra.s32 s24, $0x2;
	s24 =	sadd.s32 $0x200, s24  }
0x1c: {  	[tilespmem:s23+$0x2870] =	vst v0  }
0x1d: {  	[tilespmem:s23+$0x2800] =	vst v0  }
0x1e: {  	[tilespmem:s23+$0x2810] =	vst v0  }
0x1f: {  	[tilespmem:s23+$0x2820] =	vst v0  }
0x20: {  	[tilespmem:s23+$0x2830] =	vst v0  }
0x21: {  	[tilespmem:s23+$0x2840] =	vst v0  }
0x22: {  	[tilespmem:s23+$0x2850] =	vst v0  }
0x23: {  	[tilespmem:s23+$0x2860] =	vst v0  }
0x24: {  	[spmem:s5] =	stream.linear.scatter [tilespmem:s15], [sflag:$0x3], $0x4000, $0x38;
	[tilespmem:$0x1E800] =	vst v63  }
0x25: {  	_ =	swait.ge [sflag:s16], $0x4000  }
0x26: {  	[sflag:s16] =	ssyncset.done $0x0  }
0x27: {  	[sflag:s16] =	ssyncadd.s32 $0xFFFFC000  }
0x28: {  	[spmem:s6] =	stream.linear.scatter [tilespmem:s15], [sflag:$0x3], $0x4000, $0x38;
	[tilespmem:$0x1E800] =	vst v63  }
0x29: {  	_ =	swait.ge [sflag:s16], $0x4000  }
0x2a: {  	[sflag:s16] =	ssyncset.done $0x0  }
0x2b: {  	[sflag:s16] =	ssyncadd.s32 $0xFFFFC000  }
0x2c: {  	[spmem:s7] =	stream.linear.scatter [tilespmem:s15], [sflag:$0x3], $0x4000, $0x38;
	[tilespmem:$0x1E800] =	vst v63  }
0x2d: {  	_ =	swait.ge [sflag:s16], $0x4000  }
0x2e: {  	[sflag:s16] =	ssyncset.done $0x0  }
0x2f: {  	[sflag:s16] =	ssyncadd.s32 $0xFFFFC000  }
0x30: {  	[spmem:s8] =	stream.linear.scatter [tilespmem:s15], [sflag:$0x3], $0x4000, $0x38;
	[tilespmem:$0x1E800] =	vst v63  }
0x31: {  	_ =	swait.ge [sflag:s16], $0x4000  }
0x32: {  	[sflag:s16] =	ssyncset.done $0x0  }
0x33: {  	[sflag:s16] =	ssyncadd.s32 $0xFFFFC000  }
0x34: {  	[spmem:s9] =	stream.linear.scatter [tilespmem:s15], [sflag:$0x3], $0x4000, $0x38;
	[tilespmem:$0x1E800] =	vst v63  }
0x35: {  	_ =	swait.ge [sflag:s16], $0x4000  }
0x36: {  	[sflag:s16] =	ssyncset.done $0x0  }
0x37: {  	[sflag:s16] =	ssyncadd.s32 $0xFFFFC000  }
0x38: {  	s26 =	simm.s32 $0x0;
	[bflag:$0x0] =	sbarrier.arrive $0xFFFF  }
0x39: {  	[tilespmem:s26], [sflag:$0x3] =	stream.linear.gather [hbm4b:s11+s26], $0x1400, $0x38;
	[tilespmem:$0x1E800] =	vst v63  }
0x3a: {  	_ =	swait.ge [sflag:s16], $0x1400  }
0x3b: {  	[sflag:s16] =	ssyncset.done $0x0  }
0x3c: {  	[sflag:s16] =	ssyncadd.s32 $0xFFFFEC00  }
0x3d: {  	[tilespmem:s17], [sflag:$0x3] =	stream.linear.gather [hbm4b:s12+s26], $0x1400, $0x38;
	[tilespmem:$0x1E800] =	vst v63  }
0x3e: {  	_ =	swait.ge [sflag:s16], $0x1400  }
0x3f: {  	[sflag:s16] =	ssyncset.done $0x0  }
0x40: {  	s28 =	simm.s32 $0x0;
	[sflag:s16] =	ssyncadd.s32 $0xFFFFEC00  }
0x41: {  	[tilespmem:s15], [sflag:$0x1] =	stream.indirect.gather [hbm4b:s1+s18], $0x80, s28, s18, $0xb8;
	[tilespmem:$0x1E800] =	vst v63  }
0x42: {  	s29 =	simm.s32 $0x80  }
0x43: {  	[tilespmem:s19], [sflag:$0x2] =	stream.indirect.gather [hbm4b:s1+s18], $0x80, s29, s18, $0xb8;
	[tilespmem:$0x1E800] =	vst v63  }
0x44: {  	_ =	swait.ge [sflag:s20], $0x4000  }
0x45: {  	[sflag:s20] =	ssyncset.done $0x0  }
0x46: {  	s30 =	simm.s32 $0x1400;
	[sflag:s20] =	ssyncadd.s32 $0xFFFFC000  }
0x47: {  	[spmem:s2] =	stream.indirect.scatter.add.f32 [tilespmem:s15], [sflag:$0x3], $0x80, s30, s18, $0xb8;
	[tilespmem:$0x1E800] =	vst v63  }
0x48: {  	_ =	swait.ge [sflag:s16], $0x4000  }
0x49: {  	[sflag:s16] =	ssyncset.done $0x0  }
0x4a: {  	[sflag:s16] =	ssyncadd.s32 $0xFFFFC000  }
0x4b: {  	_ =	swait.ge [sflag:s21], $0x4000  }
0x4c: {  	[sflag:s21] =	ssyncset.done $0x0  }
0x4d: {  	s31 =	simm.s32 $0x1480;
	[sflag:s21] =	ssyncadd.s32 $0xFFFFC000  }
0x4e: {  	[spmem:s2] =	stream.indirect.scatter.add.f32 [tilespmem:s19], [sflag:$0x3], $0x80, s31, s18, $0xb8;
	[tilespmem:$0x1E800] =	vst v63  }
0x4f: {  	_ =	swait.ge [sflag:s16], $0x4000  }
0x50: {  	s23 =	simm.s32 $0x400;
	s24 =	simm.s32 $0x800;
	[sflag:s16] =	ssyncset.done $0x0  }
.LBB2_4:
0x51: {  	s25 =	sshra.s32 s23, $0x2  }
0x52: {  	[sflag:s16] =	ssyncadd.s32 $0xFFFFC000;
	s23 =	smov.u32 s24;
	s26 =	sadd.s32 $0x400, s24  }
0x53: {  	[tilespmem:s15], [sflag:$0x1] =	stream.indirect.gather [hbm4b:s1+s18], $0x80, s25, s18, $0xb8;
	[tilespmem:$0x1E800] =	vst v63  }
0x54: {  	p0 =	sne.s32 s24, $0x4C00;
	s24 =	sadd.s32 $0x80, s25  }
0x55: {  	[tilespmem:s19], [sflag:$0x2] =	stream.indirect.gather [hbm4b:s1+s18], $0x80, s24, s18, $0xb8;
	[tilespmem:$0x1E800] =	vst v63  }
0x56: {  	_ =	swait.ge [sflag:s20], $0x4000  }
0x57: {  	[sflag:s20] =	ssyncset.done $0x0  }
0x58: {  	s24 =	sadd.s32 $0x1400, s25;
	[sflag:s20] =	ssyncadd.s32 $0xFFFFC000  }
0x59: {  	[spmem:s2] =	stream.indirect.scatter.add.f32 [tilespmem:s15], [sflag:$0x3], $0x80, s24, s18, $0xb8;
	[tilespmem:$0x1E800] =	vst v63  }
0x5a: {  	_ =	swait.ge [sflag:s16], $0x4000  }
0x5b: {  	[sflag:s16] =	ssyncset.done $0x0  }
0x5c: {  	[sflag:s16] =	ssyncadd.s32 $0xFFFFC000  }
0x5d: {  	_ =	swait.ge [sflag:s21], $0x4000  }
.Ltmp1:
0x5e: {  	[sflag:s21] =	ssyncset.done $0x0;
	(pc) =	sbr.rel @p0 .LBB2_4-.Ltmp1, $4  }
0x5f: {  	s24 =	sadd.s32 $0x1480, s25;
	[sflag:s21] =	ssyncadd.s32 $0xFFFFC000  }
0x60: {  	[spmem:s2] =	stream.indirect.scatter.add.f32 [tilespmem:s19], [sflag:$0x3], $0x80, s24, s18, $0xb8;
	[tilespmem:$0x1E800] =	vst v63  }
0x61: {  	_ =	swait.ge [sflag:s16], $0x4000  }
0x62: {  	s24 =	smov.u32 s26;
	[sflag:s16] =	ssyncset.done $0x0  }
0x63: {  	s23 =	sshra.s32 s23, $0x2;
	[sflag:s16] =	ssyncadd.s32 $0xFFFFC000  }
0x64: {  	[tilespmem:s15], [sflag:$0x1] =	stream.indirect.gather [hbm4b:s1+s18], $0x80, s23, s18, $0xb8;
	[tilespmem:$0x1E800] =	vst v63  }
0x65: {  	s24 =	sadd.s32 $0x80, s23  }
0x66: {  	[tilespmem:s19], [sflag:$0x2] =	stream.indirect.gather [hbm4b:s1+s18], $0x80, s24, s18, $0xb8;
	[tilespmem:$0x1E800] =	vst v63  }
0x67: {  	_ =	swait.ge [sflag:s20], $0x4000  }
0x68: {  	[sflag:s20] =	ssyncset.done $0x0  }
0x69: {  	s25 =	sadd.s32 $0x1400, s23;
	[sflag:s20] =	ssyncadd.s32 $0xFFFFC000  }
0x6a: {  	[spmem:s2] =	stream.indirect.scatter.add.f32 [tilespmem:s15], [sflag:$0x3], $0x80, s25, s18, $0xb8;
	[tilespmem:$0x1E800] =	vst v63  }
0x6b: {  	_ =	swait.ge [sflag:s16], $0x4000  }
0x6c: {  	[sflag:s16] =	ssyncset.done $0x0  }
0x6d: {  	[sflag:s16] =	ssyncadd.s32 $0xFFFFC000  }
0x6e: {  	_ =	swait.ge [sflag:s21], $0x4000  }
0x6f: {  	[sflag:s21] =	ssyncset.done $0x0  }
0x70: {  	s23 =	sadd.s32 $0x1480, s23;
	[sflag:s21] =	ssyncadd.s32 $0xFFFFC000  }
0x71: {  	[spmem:s2] =	stream.indirect.scatter.add.f32 [tilespmem:s19], [sflag:$0x3], $0x80, s23, s18, $0xb8;
	[tilespmem:$0x1E800] =	vst v63  }
0x72: {  	_ =	swait.ge [sflag:s16], $0x4000  }
0x73: {  	[sflag:s16] =	ssyncset.done $0x0  }
0x74: {  	s26 =	simm.s32 $0x0;
	[sflag:s16] =	ssyncadd.s32 $0xFFFFC000  }
0x75: {  	[tilespmem:s26], [sflag:$0x3] =	stream.linear.gather [hbm4b:s13+s26], $0x1400, $0x38;
	[tilespmem:$0x1E800] =	vst v63  }
0x76: {  	_ =	swait.ge [sflag:s16], $0x1400  }
0x77: {  	[sflag:s16] =	ssyncset.done $0x0  }
0x78: {  	[sflag:s16] =	ssyncadd.s32 $0xFFFFEC00  }
0x79: {  	[tilespmem:s17], [sflag:$0x3] =	stream.linear.gather [hbm4b:s14+s26], $0x1400, $0x38;
	[tilespmem:$0x1E800] =	vst v63  }
0x7a: {  	_ =	swait.ge [sflag:s16], $0x1400  }
0x7b: {  	[sflag:s16] =	ssyncset.done $0x0  }
0x7c: {  	s28 =	simm.s32 $0x0;
	[sflag:s16] =	ssyncadd.s32 $0xFFFFEC00  }
0x7d: {  	[tilespmem:s15], [sflag:$0x1] =	stream.indirect.gather [hbm4b:s1+s18], $0x80, s28, s18, $0xb8;
	[tilespmem:$0x1E800] =	vst v63  }
0x7e: {  	s29 =	simm.s32 $0x80  }
0x7f: {  	[tilespmem:s19], [sflag:$0x2] =	stream.indirect.gather [hbm4b:s1+s18], $0x80, s29, s18, $0xb8;
	[tilespmem:$0x1E800] =	vst v63  }
0x80: {  	_ =	swait.ge [sflag:s20], $0x4000  }
0x81: {  	[sflag:s20] =	ssyncset.done $0x0  }
0x82: {  	s30 =	simm.s32 $0x1400;
	[sflag:s20] =	ssyncadd.s32 $0xFFFFC000  }
0x83: {  	[spmem:s2] =	stream.indirect.scatter.add.f32 [tilespmem:s15], [sflag:$0x3], $0x80, s30, s18, $0xb8;
	[tilespmem:$0x1E800] =	vst v63  }
0x84: {  	_ =	swait.ge [sflag:s16], $0x4000  }
0x85: {  	[sflag:s16] =	ssyncset.done $0x0  }
0x86: {  	[sflag:s16] =	ssyncadd.s32 $0xFFFFC000  }
0x87: {  	_ =	swait.ge [sflag:s21], $0x4000  }
0x88: {  	[sflag:s21] =	ssyncset.done $0x0  }
0x89: {  	s31 =	simm.s32 $0x1480;
	[sflag:s21] =	ssyncadd.s32 $0xFFFFC000  }
0x8a: {  	[spmem:s2] =	stream.indirect.scatter.add.f32 [tilespmem:s19], [sflag:$0x3], $0x80, s31, s18, $0xb8;
	[tilespmem:$0x1E800] =	vst v63  }
0x8b: {  	_ =	swait.ge [sflag:s16], $0x4000  }
0x8c: {  	s24 =	simm.s32 $0x800;
	s23 =	simm.s32 $0x400;
	[sflag:s16] =	ssyncset.done $0x0  }
.LBB2_6:
0x8d: {  	s25 =	sshra.s32 s23, $0x2  }
0x8e: {  	[sflag:s16] =	ssyncadd.s32 $0xFFFFC000;
	s23 =	smov.u32 s24;
	s26 =	sadd.s32 $0x400, s24  }
0x8f: {  	[tilespmem:s15], [sflag:$0x1] =	stream.indirect.gather [hbm4b:s1+s18], $0x80, s25, s18, $0xb8;
	[tilespmem:$0x1E800] =	vst v63  }
0x90: {  	p0 =	sne.s32 s24, $0x4C00;
	s24 =	sadd.s32 $0x80, s25  }
0x91: {  	[tilespmem:s19], [sflag:$0x2] =	stream.indirect.gather [hbm4b:s1+s18], $0x80, s24, s18, $0xb8;
	[tilespmem:$0x1E800] =	vst v63  }
0x92: {  	_ =	swait.ge [sflag:s20], $0x4000  }
0x93: {  	[sflag:s20] =	ssyncset.done $0x0  }
0x94: {  	s24 =	sadd.s32 $0x1400, s25;
	[sflag:s20] =	ssyncadd.s32 $0xFFFFC000  }
0x95: {  	[spmem:s2] =	stream.indirect.scatter.add.f32 [tilespmem:s15], [sflag:$0x3], $0x80, s24, s18, $0xb8;
	[tilespmem:$0x1E800] =	vst v63  }
0x96: {  	_ =	swait.ge [sflag:s16], $0x4000  }
0x97: {  	[sflag:s16] =	ssyncset.done $0x0  }
0x98: {  	[sflag:s16] =	ssyncadd.s32 $0xFFFFC000  }
0x99: {  	_ =	swait.ge [sflag:s21], $0x4000  }
.Ltmp2:
0x9a: {  	[sflag:s21] =	ssyncset.done $0x0;
	(pc) =	sbr.rel @p0 .LBB2_6-.Ltmp2, $4  }
0x9b: {  	s24 =	sadd.s32 $0x1480, s25;
	[sflag:s21] =	ssyncadd.s32 $0xFFFFC000  }
0x9c: {  	[spmem:s2] =	stream.indirect.scatter.add.f32 [tilespmem:s19], [sflag:$0x3], $0x80, s24, s18, $0xb8;
	[tilespmem:$0x1E800] =	vst v63  }
0x9d: {  	_ =	swait.ge [sflag:s16], $0x4000  }
0x9e: {  	s24 =	smov.u32 s26;
	[sflag:s16] =	ssyncset.done $0x0  }
0x9f: {  	s23 =	sshra.s32 s23, $0x2;
	[sflag:s16] =	ssyncadd.s32 $0xFFFFC000  }
0xa0: {  	[tilespmem:s15], [sflag:$0x1] =	stream.indirect.gather [hbm4b:s1+s18], $0x80, s23, s18, $0xb8;
	[tilespmem:$0x1E800] =	vst v63  }
0xa1: {  	s24 =	sadd.s32 $0x80, s23  }
0xa2: {  	[tilespmem:s19], [sflag:$0x2] =	stream.indirect.gather [hbm4b:s1+s18], $0x80, s24, s18, $0xb8;
	[tilespmem:$0x1E800] =	vst v63  }
0xa3: {  	_ =	swait.ge [sflag:s20], $0x4000  }
0xa4: {  	[sflag:s20] =	ssyncset.done $0x0  }
0xa5: {  	s29 =	sadd.s32 $0x1400, s23;
	[sflag:s20] =	ssyncadd.s32 $0xFFFFC000  }
0xa6: {  	[spmem:s2] =	stream.indirect.scatter.add.f32 [tilespmem:s15], [sflag:$0x3], $0x80, s29, s18, $0xb8;
	[tilespmem:$0x1E800] =	vst v63  }
0xa7: {  	_ =	swait.ge [sflag:s16], $0x4000  }
0xa8: {  	[sflag:s16] =	ssyncset.done $0x0  }
0xa9: {  	[sflag:s16] =	ssyncadd.s32 $0xFFFFC000  }
0xaa: {  	_ =	swait.ge [sflag:s21], $0x4000  }
0xab: {  	[sflag:s21] =	ssyncset.done $0x0  }
0xac: {  	s23 =	sadd.s32 $0x1480, s23;
	[sflag:s21] =	ssyncadd.s32 $0xFFFFC000  }
0xad: {  	[spmem:s2] =	stream.indirect.scatter.add.f32 [tilespmem:s19], [sflag:$0x3], $0x80, s23, s18, $0xb8;
	[tilespmem:$0x1E800] =	vst v63  }
0xae: {  	_ =	swait.ge [sflag:s16], $0x4000  }
0xaf: {  	s30 =	sshll.u32 s4, $0x6;
	s3 =	sadd.s32 $0x1, s3;
	[sflag:s16] =	ssyncset.done $0x0  }
0xb0: {  	s31 =	sshrl.u32 s5, $0x3;
	p0 =	sne.s32 s3, s10;
	[sflag:s16] =	ssyncadd.s32 $0xFFFFC000  }
.Ltmp3:
0xb1: {  	s23 =	sor.u32 $0x1C03, s30;
	[bflag:$0x0] =	sbarrier.arrive $0xFFFF;
	(pc) =	sbr.rel @p0 .LBB2_1-.Ltmp3, $4  }
0xb2: {  	[hbm:s22], [sflag:s23] =	dma.local [spmem:s31], $0x2800  }
0xb3: {  	_ =	swait.ge [sflag:s16], $0x2800  }
0xb4: {  	[sflag:s16] =	ssyncset.done $0x0  }
0xb5: {  	[sflag:s16] =	ssyncadd.s32 $0xFFFFD800  }
0xb6: {  	_ =	sfence.sel $0x180000  }
0xb7: {  	[bflag:$0x0] =	sbarrier.arrive $0xFFFF  }
0xb8: {  	p0 =	sne.s32 s4, $0x0;
	_ =	strace $0x90000047  }
0xb9: {  	s0 =	sadd.s32 @!p0 $0x100000, s0;
	[bflag:$0x2] =	sbarrier.arrive $0xFFFF  }
0xba: {  	[sflag:s0] =	ssyncadd.tile.s32 @!p0 $0x1;
	_ =	shalt  }
.Lfunc_end2:
_tile_overlayer_lowered:
.L_overlay_start_2:
0xbb: {  	(tag) =	ssettag $0x2  }
0xbc: {  	s0 =	rddreg [dreg:$0x0];
	s2 =	stileid.u32  }
0xbd: {  	s1 =	rddreg [dreg:$0x1];
	p0 =	sne.s32 s2, $0x0  }
0xbe: {  	s3 =	rddreg [dreg:$0x2];
	[bflag:$0x3] =	sbarrier.arrive $0xFFFF;
	s2 =	simm.s32 @!p0 $0x1C03  }
0xbf: {  	[timem:s3], [sflag:s2] =	dma.local @!p0 [hbm:s0], s1  }
0xc0: {  	s0 =	simm.s32 @!p0 $0x3  }
0xc1: {  	_ =	swait.ge @!p0 [sflag:s0], s1  }
0xc2: {  	s1 =	ssub.s32 @!p0 $0x0, s1;
	[sflag:s0] =	ssyncset.done @!p0 $0x0  }
0xc3: {  	[sflag:s0] =	ssyncadd.s32 @!p0 s1  }
0xc4: {  	[bflag:$0x3] =	sbarrier.arrive $0xFFFF  }
0xc5: {  	_ =	shalt  }

</sc_bundles>
